<compile_context>
chip_gen: v7x
topology: tpu7x:2x2x1
jax: 0.10.2.dev20260603
libtpu: 0.0.44.dev20260713+nightly
codegen_flags: <defaults>
</compile_context>

<pallas_src>
import functools

import jax
import jax.numpy as jnp
from jax import lax
from jax.experimental import pallas as pl
from jax.experimental.pallas import tpu as pltpu
from jax.experimental.pallas import tpu_sc as plsc

B = 32
NW = 2048
D = 1024
K = 256
CHUNK = 2048
LANES = 16
NVR = NW // LANES



def _logits_body(feat_ref, wrong_ref, out_ref):
    w = wrong_ref[0]
    fcol = feat_ref[0].reshape(D, 1)
    res = jax.lax.dot_general(
        w, fcol,
        dimension_numbers=(((1,), (0,)), ((), ())),
        preferred_element_type=jnp.float32,
    )
    out_ref[...] = res.reshape(1, CHUNK, 1)


def _compute_logits(feat, wrong):
    grid = (B, NW // CHUNK)
    feat3 = feat.reshape(B, 1, D)
    out = pl.pallas_call(
        _logits_body,
        grid=grid,
        in_specs=[
            pl.BlockSpec((1, 1, D), lambda b, c: (b, 0, 0)),
            pl.BlockSpec((1, CHUNK, D), lambda b, c: (b, c, 0)),
        ],
        out_specs=pl.BlockSpec((1, CHUNK, 1), lambda b, c: (b, c, 0)),
        out_shape=jax.ShapeDtypeStruct((B, NW, 1), jnp.float32),
    )(feat3, wrong)
    return out.reshape(B, NW)


def _right_body(feat_ref, right_ref, out_ref):
    rb = jnp.broadcast_to(right_ref[0], (CHUNK, D))
    fcol = feat_ref[0].reshape(D, 1)
    res = jax.lax.dot_general(
        rb, fcol,
        dimension_numbers=(((1,), (0,)), ((), ())),
        preferred_element_type=jnp.float32,
    )
    out_ref[...] = res.reshape(1, CHUNK, 1)


def _compute_right_logit(feat, right):
    feat3 = feat.reshape(B, 1, D)
    right3 = right.reshape(B, 1, D)
    out = pl.pallas_call(
        _right_body,
        grid=(B,),
        in_specs=[
            pl.BlockSpec((1, 1, D), lambda b: (b, 0, 0)),
            pl.BlockSpec((1, 1, D), lambda b: (b, 0, 0)),
        ],
        out_specs=pl.BlockSpec((1, CHUNK, 1), lambda b: (b, 0, 0)),
        out_shape=jax.ShapeDtypeStruct((B, CHUNK, 1), jnp.float32),
    )(feat3, right3)
    return out[:, 0, 0].reshape(B, 1)



def _softmax_body(logits_ref, right_ref, probs_ref):
    l = logits_ref[...]
    rl = right_ref[...]
    m = jnp.maximum(jnp.max(l, axis=1, keepdims=True), rl)
    e = jnp.exp(l - m)
    er = jnp.exp(rl - m)
    z = jnp.sum(e, axis=1, keepdims=True) + er
    probs_ref[...] = e / z


def _compute_probs(logits, right_logit):
    return pl.pallas_call(
        _softmax_body,
        out_shape=jax.ShapeDtypeStruct((B, NW), jnp.float32),
    )(logits, right_logit)



_MESH = plsc.VectorSubcoreMesh(
    core_axis_name="c", subcore_axis_name="s", num_cores=2, num_subcores=16
)


def _topk_sc_body(probs_hbm, outp_hbm, outi_hbm,
                  row_v, kA, iA, kB, iB, hist, op_v, oi_v):
    wid = lax.axis_index("s") * 2 + lax.axis_index("c")
    pltpu.sync_copy(probs_hbm.at[wid], row_v)

    def init_body(v, carry):
        p = row_v[pl.ds(v * LANES, LANES)]
        bits = lax.bitcast_convert_type(p, jnp.int32)
        kA[pl.ds(v * LANES, LANES)] = ~bits
        iA[pl.ds(v * LANES, LANES)] = (
            v * LANES + lax.iota(jnp.int32, LANES))
        return carry
    lax.fori_loop(0, NVR, init_body, 0, unroll=2)

    bufs = [(kA, iA), (kB, iB)]
    for t in range(7):
        src_k, src_i = bufs[t % 2]
        dst_k, dst_i = bufs[(t + 1) % 2]
        shift = jnp.int32(5 * t)

        hist[pl.ds(0, LANES)] = jnp.zeros((LANES,), jnp.int32)
        hist[pl.ds(LANES, LANES)] = jnp.zeros((LANES,), jnp.int32)

        def hist_body(v, carry):
            kk = src_k[pl.ds(v * LANES, LANES)]
            d = lax.shift_right_logical(kk, shift) & jnp.int32(31)
            r1, last = plsc.scan_count(d)
            plsc.addupdate_scatter(hist, [d], r1, mask=last)
            return carry
        lax.fori_loop(0, NVR, hist_body, 0, unroll=2)

        h0 = hist[pl.ds(0, LANES)]
        h1 = hist[pl.ds(LANES, LANES)]
        b0 = plsc.cumsum(h0) - h0
        b1 = plsc.cumsum(h1) - h1 + jnp.sum(h0)
        hist[pl.ds(0, LANES)] = b0
        hist[pl.ds(LANES, LANES)] = b1

        def perm_body(v, carry):
            kk = src_k[pl.ds(v * LANES, LANES)]
            vv = src_i[pl.ds(v * LANES, LANES)]
            d = lax.shift_right_logical(kk, shift) & jnp.int32(31)
            r1, last = plsc.scan_count(d)
            base = plsc.load_gather(hist, [d])
            pos = base + r1 - 1
            plsc.store_scatter(dst_k, [pos], kk)
            plsc.store_scatter(dst_i, [pos], vv)
            plsc.store_scatter(hist, [d], base + r1, mask=last)
            return carry
        lax.fori_loop(0, NVR, perm_body, 0, unroll=2)

    fin_k, fin_i = bufs[1]
    def out_body(v, carry):
        kk = fin_k[pl.ds(v * LANES, LANES)]
        op_v[pl.ds(v * LANES, LANES)] = lax.bitcast_convert_type(
            ~kk, jnp.float32)
        oi_v[pl.ds(v * LANES, LANES)] = fin_i[pl.ds(v * LANES, LANES)]
        return carry
    lax.fori_loop(0, K // LANES, out_body, 0, unroll=2)

    pltpu.sync_copy(op_v, outp_hbm.at[wid])
    pltpu.sync_copy(oi_v, outi_hbm.at[wid])


def _topk_sc(probs):
    f = pl.kernel(
        _topk_sc_body,
        out_type=(
            jax.ShapeDtypeStruct((B, K), jnp.float32),
            jax.ShapeDtypeStruct((B, K), jnp.int32),
        ),
        mesh=_MESH,
        compiler_params=pltpu.CompilerParams(needs_layout_passes=False),
        scratch_types=[
            pltpu.VMEM((NW,), jnp.float32),
            pltpu.VMEM((NW,), jnp.int32),
            pltpu.VMEM((NW,), jnp.int32),
            pltpu.VMEM((NW,), jnp.int32),
            pltpu.VMEM((NW,), jnp.int32),
            pltpu.VMEM((32,), jnp.int32),
            pltpu.VMEM((K,), jnp.float32),
            pltpu.VMEM((K,), jnp.int32),
        ],
    )
    return f(probs)


def kernel(feat, right, wrong):
    logits = _compute_logits(feat, wrong)
    right_logit = _compute_right_logit(feat, right)
    probs = _compute_probs(logits, right_logit)
    sample_prob, sample_idx = _topk_sc(probs)
    return (sample_prob, sample_idx)

# --- scband reference (transcript-rebuilt; emitter-appended) ---
"""Pipeline reference for scband-gc-sampler-v2-87445534147407 (READ-ONLY COPY).

The authoritative reference and input builder live on the scoring server;
editing this copy changes nothing except your own understanding.
"""

import jax, jax.numpy as jnp
import numpy as np

NINP = 1024
SAMPLE_NUM = 256

def setup_inputs(seed: int = 0) -> dict:
    key = jax.random.key(seed)
    k1, k2, k3 = jax.random.split(key, 3)
    feat = jax.random.normal(k1, (32, NINP), dtype=jnp.float32)
    right = jax.random.normal(k2, (32, NINP), dtype=jnp.float32)
    wrong = jax.random.normal(k3, (32, 2048, NINP), dtype=jnp.float32)
    return {"feat": feat, "right": right, "wrong": wrong}

def reference(feat, right, wrong):
    # feat: (B, ninp) -> (B, ninp, 1)
    f = feat.reshape(-1, NINP, 1)
    # concat right (B,1,ninp) with wrong (B,Nw,ninp)
    ans_rw = jnp.concatenate([right.reshape(-1, 1, NINP), wrong], axis=1)
    # batched mat-vec: (B, 1+Nw, 1)
    rw_dis = jnp.matmul(ans_rw, f)
    gc_prob = jax.nn.softmax(rw_dis, axis=1).squeeze(-1)  # (B, 1+Nw)
    sub = gc_prob[:, 1:]
    # descending sort (values + indices) as torch.sort(..., descending=True)
    sorted_prob = -jnp.sort(-sub, axis=1)
    gc_idx = jnp.argsort(-sub, axis=1)
    sample_prob = sorted_prob[:, :SAMPLE_NUM]
    sample_idx = gc_idx[:, :SAMPLE_NUM]
    return (sample_prob, sample_idx)

if __name__ == "__main__":
    import jax
    _d = setup_inputs()
    print(jax.jit(kernel)(*tuple(_d.values())))

</pallas_src>

<mosaic_0001>
#map = affine_map<(d0, d1) -> (0, 0)>
module attributes {stable_mosaic.version = 14 : i64} {
  func.func @_topk_sc_body(%arg0: i32, %arg1: i32, %arg2: memref<32x2048xf32, #tpu.memory_space<hbm>>, %arg3: memref<32x256xf32, #tpu.memory_space<hbm>>, %arg4: memref<32x256xi32, #tpu.memory_space<hbm>>, %arg5: memref<2048xf32, #tpu.memory_space<vmem>>, %arg6: memref<2048xi32, #tpu.memory_space<vmem>>, %arg7: memref<2048xi32, #tpu.memory_space<vmem>>, %arg8: memref<2048xi32, #tpu.memory_space<vmem>>, %arg9: memref<2048xi32, #tpu.memory_space<vmem>>, %arg10: memref<32xi32, #tpu.memory_space<vmem>>, %arg11: memref<256xf32, #tpu.memory_space<vmem>>, %arg12: memref<256xi32, #tpu.memory_space<vmem>>) attributes {dimension_semantics = [#tpu.dimension_semantics<core_parallel>, #tpu.dimension_semantics<subcore_parallel>], iteration_bounds = array<i64: 2, 16>, scalar_prefetch = 0 : i64, scratch_operands = 8 : i64, tpu.core_type = #tpu.core_type<sc_vector_subcore>, window_params = [{transform_indices = #map}, {transform_indices = #map}, {transform_indices = #map}]} {
    %mul3A = arith.constant 2 : i32
    %mul3A_0 = arith.muli %arg1, %mul3A : i32
    %add3A = arith.addi %mul3A_0, %arg0 : i32
    "tpu.region"() ({
      %run_scoped3A = tpu.sem_alloc : memref<!tpu.dma_semaphore, #tpu.memory_space<semaphore_mem>>
      %dma_start3A = arith.constant 0 : i32
      %dma_start3A_314 = tpu.memref_slice %arg2[%add3A, %dma_start3A] : memref<32x2048xf32, #tpu.memory_space<hbm>> -> memref<1x2048xf32, #tpu.memory_space<hbm>>
      %dma_start3A_315 = tpu.memref_squeeze %dma_start3A_314 : memref<1x2048xf32, #tpu.memory_space<hbm>> -> memref<2048xf32, #tpu.memory_space<hbm>>
      %dma_start3A_316 = arith.constant 0 : i32
      %dma_start3A_317 = tpu.memref_slice %arg2[%add3A, %dma_start3A_316] : memref<32x2048xf32, #tpu.memory_space<hbm>> -> memref<1x2048xf32, #tpu.memory_space<hbm>>
      %dma_start3A_318 = tpu.memref_squeeze %dma_start3A_317 : memref<1x2048xf32, #tpu.memory_space<hbm>> -> memref<2048xf32, #tpu.memory_space<hbm>>
      tpu.enqueue_dma source(%dma_start3A_318 : memref<2048xf32, #tpu.memory_space<hbm>>) target(%arg5 : memref<2048xf32, #tpu.memory_space<vmem>>) target_semaphore(%run_scoped3A : memref<!tpu.dma_semaphore, #tpu.memory_space<semaphore_mem>>)
      %dma_wait3A = arith.constant 0 : i32
      %dma_wait3A_319 = tpu.memref_slice %arg2[%add3A, %dma_wait3A] : memref<32x2048xf32, #tpu.memory_space<hbm>> -> memref<1x2048xf32, #tpu.memory_space<hbm>>
      %dma_wait3A_320 = tpu.memref_squeeze %dma_wait3A_319 : memref<1x2048xf32, #tpu.memory_space<hbm>> -> memref<2048xf32, #tpu.memory_space<hbm>>
      %dma_wait3A_321 = arith.constant 0 : i32
      %dma_wait3A_322 = tpu.memref_slice %arg2[%add3A, %dma_wait3A_321] : memref<32x2048xf32, #tpu.memory_space<hbm>> -> memref<1x2048xf32, #tpu.memory_space<hbm>>
      %dma_wait3A_323 = tpu.memref_squeeze %dma_wait3A_322 : memref<1x2048xf32, #tpu.memory_space<hbm>> -> memref<2048xf32, #tpu.memory_space<hbm>>
      tpu.wait_dma2 semaphore(%run_scoped3A : memref<!tpu.dma_semaphore, #tpu.memory_space<semaphore_mem>>) src(%dma_wait3A_323 : memref<2048xf32, #tpu.memory_space<hbm>>) dst(%arg5 : memref<2048xf32, #tpu.memory_space<vmem>>)
      tpu.yield
    }) : () -> ()
    %scan3A = arith.constant 0 : i32
    %scan3A_1 = arith.constant 0 : i32
    %scan3A_2 = arith.constant 128 : i32
    %scan3A_3 = arith.addi %scan3A_1, %scan3A_2 : i32
    %scan3A_4 = arith.constant 2 : i32
    scf.for %scan3A_314 = %scan3A_1 to %scan3A_3 step %scan3A_4  : i32 {
      %mul3A_315 = arith.constant 16 : i32
      %mul3A_316 = arith.muli %scan3A_314, %mul3A_315 : i32
      %get3A_317 = arith.index_cast %mul3A_316 : i32 to index
      %get3A_318 = tpu.vector_load %arg5[%get3A_317] {strides = array<i32>} : memref<2048xf32, #tpu.memory_space<vmem>>, vector<16xf32>,
      %bitcast_convert_type3A = tpu.bitcast %get3A_318 : vector<16xf32> -> vector<16xi32>
      %not3A = arith.constant dense<-1> : vector<16xi32>
      %not3A_319 = arith.xori %bitcast_convert_type3A, %not3A : vector<16xi32>
      %mul3A_320 = arith.constant 16 : i32
      %mul3A_321 = arith.muli %scan3A_314, %mul3A_320 : i32
      %swap3A_322 = arith.index_cast %mul3A_321 : i32 to index
      %swap3A_323 = tpu.vector_load %arg6[%swap3A_322] {strides = array<i32>} : memref<2048xi32, #tpu.memory_space<vmem>>, vector<16xi32>,
      tpu.vector_store %arg6[%swap3A_322], %not3A_319 {strides = array<i32>} : memref<2048xi32, #tpu.memory_space<vmem>>, vector<16xi32>,
      %mul3A_324 = arith.constant 16 : i32
      %mul3A_325 = arith.muli %scan3A_314, %mul3A_324 : i32
      %iota3A = tpu.iota {dimensions = array<i32: 0>} : vector<16xi32>
      %add3A_326 = vector.broadcast %mul3A_325 : i32 to vector<16xi32>
      %add3A_327 = arith.addi %add3A_326, %iota3A : vector<16xi32>
      %mul3A_328 = arith.constant 16 : i32
      %mul3A_329 = arith.muli %scan3A_314, %mul3A_328 : i32
      %swap3A_330 = arith.index_cast %mul3A_329 : i32 to index
      %swap3A_331 = tpu.vector_load %arg7[%swap3A_330] {strides = array<i32>} : memref<2048xi32, #tpu.memory_space<vmem>>, vector<16xi32>,
      tpu.vector_store %arg7[%swap3A_330], %add3A_327 {strides = array<i32>} : memref<2048xi32, #tpu.memory_space<vmem>>, vector<16xi32>,
      %scan3A_332 = arith.constant 1 : i32
      %scan3A_333 = arith.addi %scan3A_314, %scan3A_332 : i32
      %mul3A_334 = arith.constant 16 : i32
      %mul3A_335 = arith.muli %scan3A_333, %mul3A_334 : i32
      %get3A_336 = arith.index_cast %mul3A_335 : i32 to index
      %get3A_337 = tpu.vector_load %arg5[%get3A_336] {strides = array<i32>} : memref<2048xf32, #tpu.memory_space<vmem>>, vector<16xf32>,
      %bitcast_convert_type3A_338 = tpu.bitcast %get3A_337 : vector<16xf32> -> vector<16xi32>
      %not3A_339 = arith.constant dense<-1> : vector<16xi32>
      %not3A_340 = arith.xori %bitcast_convert_type3A_338, %not3A_339 : vector<16xi32>
      %mul3A_341 = arith.constant 16 : i32
      %mul3A_342 = arith.muli %scan3A_333, %mul3A_341 : i32
      %swap3A_343 = arith.index_cast %mul3A_342 : i32 to index
      %swap3A_344 = tpu.vector_load %arg6[%swap3A_343] {strides = array<i32>} : memref<2048xi32, #tpu.memory_space<vmem>>, vector<16xi32>,
      tpu.vector_store %arg6[%swap3A_343], %not3A_340 {strides = array<i32>} : memref<2048xi32, #tpu.memory_space<vmem>>, vector<16xi32>,
      %mul3A_345 = arith.constant 16 : i32
      %mul3A_346 = arith.muli %scan3A_333, %mul3A_345 : i32
      %iota3A_347 = tpu.iota {dimensions = array<i32: 0>} : vector<16xi32>
      %add3A_348 = vector.broadcast %mul3A_346 : i32 to vector<16xi32>
      %add3A_349 = arith.addi %add3A_348, %iota3A_347 : vector<16xi32>
      %mul3A_350 = arith.constant 16 : i32
      %mul3A_351 = arith.muli %scan3A_333, %mul3A_350 : i32
      %swap3A_352 = arith.index_cast %mul3A_351 : i32 to index
      %swap3A_353 = tpu.vector_load %arg7[%swap3A_352] {strides = array<i32>} : memref<2048xi32, #tpu.memory_space<vmem>>, vector<16xi32>,
      tpu.vector_store %arg7[%swap3A_352], %add3A_349 {strides = array<i32>} : memref<2048xi32, #tpu.memory_space<vmem>>, vector<16xi32>,
    }
    %scan3A_5 = arith.constant 128 : i32
    %broadcast_in_dim3A = arith.constant 0 : i32
    %broadcast_in_dim3A_6 = vector.broadcast %broadcast_in_dim3A : i32 to vector<16xi32>
    %swap3A = arith.constant 0 : index
    %swap3A_7 = tpu.vector_load %arg10[%swap3A] {strides = array<i32>} : memref<32xi32, #tpu.memory_space<vmem>>, vector<16xi32>,
    tpu.vector_store %arg10[%swap3A], %broadcast_in_dim3A_6 {strides = array<i32>} : memref<32xi32, #tpu.memory_space<vmem>>, vector<16xi32>,
    %broadcast_in_dim3A_8 = arith.constant 0 : i32
    %broadcast_in_dim3A_9 = vector.broadcast %broadcast_in_dim3A_8 : i32 to vector<16xi32>
    %swap3A_10 = arith.constant 16 : index
    %swap3A_11 = tpu.vector_load %arg10[%swap3A_10] {strides = array<i32>} : memref<32xi32, #tpu.memory_space<vmem>>, vector<16xi32>,
    tpu.vector_store %arg10[%swap3A_10], %broadcast_in_dim3A_9 {strides = array<i32>} : memref<32xi32, #tpu.memory_space<vmem>>, vector<16xi32>,
    %scan3A_12 = arith.constant 0 : i32
    %scan3A_13 = arith.constant 0 : i32
    %scan3A_14 = arith.constant 0 : i32
    %scan3A_15 = arith.constant 128 : i32
    %scan3A_16 = arith.addi %scan3A_14, %scan3A_15 : i32
    %scan3A_17 = arith.constant 2 : i32
    scf.for %scan3A_314 = %scan3A_14 to %scan3A_16 step %scan3A_17  : i32 {
      %mul3A_315 = arith.constant 16 : i32
      %mul3A_316 = arith.muli %scan3A_314, %mul3A_315 : i32
      %get3A_317 = arith.index_cast %mul3A_316 : i32 to index
      %get3A_318 = tpu.vector_load %arg6[%get3A_317] {strides = array<i32>} : memref<2048xi32, #tpu.memory_space<vmem>>, vector<16xi32>,
      %shift_right_logical3A = vector.broadcast %scan3A_13 : i32 to vector<16xi32>
      %shift_right_logical3A_319 = arith.shrui %get3A_318, %shift_right_logical3A : vector<16xi32>
      %and3A = arith.constant 31 : i32
      %and3A_320 = vector.broadcast %and3A : i32 to vector<16xi32>
      %and3A_321 = arith.andi %shift_right_logical3A_319, %and3A_320 : vector<16xi32>
      %broadcast_in_dim3A_322 = arith.constant true
      %broadcast_in_dim3A_323 = vector.broadcast %broadcast_in_dim3A_322 : i1 to vector<16xi1>
      %unique3A, %unique3A_324 = tpu.scan_count mask(%broadcast_in_dim3A_323 : vector<16xi1>) value(%and3A_321 : vector<16xi32>) : vector<16xi1>, vector<16xi32>
      tpu.vector_store_idx %arg10[%and3A_321], %unique3A_324 masked %unique3A {add = true} : memref<32xi32, #tpu.memory_space<vmem>>[vector<16xi32>], vector<16xi32>, vector<16xi1>
      %scan3A_325 = arith.constant 1 : i32
      %scan3A_326 = arith.addi %scan3A_314, %scan3A_325 : i32
      %mul3A_327 = arith.constant 16 : i32
      %mul3A_328 = arith.muli %scan3A_326, %mul3A_327 : i32
      %get3A_329 = arith.index_cast %mul3A_328 : i32 to index
      %get3A_330 = tpu.vector_load %arg6[%get3A_329] {strides = array<i32>} : memref<2048xi32, #tpu.memory_space<vmem>>, vector<16xi32>,
      %shift_right_logical3A_331 = vector.broadcast %scan3A_13 : i32 to vector<16xi32>
      %shift_right_logical3A_332 = arith.shrui %get3A_330, %shift_right_logical3A_331 : vector<16xi32>
      %and3A_333 = arith.constant 31 : i32
      %and3A_334 = vector.broadcast %and3A_333 : i32 to vector<16xi32>
      %and3A_335 = arith.andi %shift_right_logical3A_332, %and3A_334 : vector<16xi32>
      %broadcast_in_dim3A_336 = arith.constant true
      %broadcast_in_dim3A_337 = vector.broadcast %broadcast_in_dim3A_336 : i1 to vector<16xi1>
      %unique3A_338, %unique3A_339 = tpu.scan_count mask(%broadcast_in_dim3A_337 : vector<16xi1>) value(%and3A_335 : vector<16xi32>) : vector<16xi1>, vector<16xi32>
      tpu.vector_store_idx %arg10[%and3A_335], %unique3A_339 masked %unique3A_338 {add = true} : memref<32xi32, #tpu.memory_space<vmem>>[vector<16xi32>], vector<16xi32>, vector<16xi1>
    }
    %scan3A_18 = arith.constant 128 : i32
    %get3A = arith.constant 0 : index
    %get3A_19 = tpu.vector_load %arg10[%get3A] {strides = array<i32>} : memref<32xi32, #tpu.memory_space<vmem>>, vector<16xi32>,
    %get3A_20 = arith.constant 16 : index
    %get3A_21 = tpu.vector_load %arg10[%get3A_20] {strides = array<i32>} : memref<32xi32, #tpu.memory_space<vmem>>, vector<16xi32>,
    %broadcast_in_dim3A_22 = arith.constant true
    %broadcast_in_dim3A_23 = vector.broadcast %broadcast_in_dim3A_22 : i1 to vector<16xi1>
    %masked_cumsum3A = tpu.scan <sum>, %get3A_19 masked %broadcast_in_dim3A_23 : vector<16xi32>, vector<16xi1> -> vector<16xi32>
    %sub3A = arith.subi %masked_cumsum3A, %get3A_19 : vector<16xi32>
    %broadcast_in_dim3A_24 = arith.constant true
    %broadcast_in_dim3A_25 = vector.broadcast %broadcast_in_dim3A_24 : i1 to vector<16xi1>
    %masked_cumsum3A_26 = tpu.scan <sum>, %get3A_21 masked %broadcast_in_dim3A_25 : vector<16xi32>, vector<16xi1> -> vector<16xi32>
    %sub3A_27 = arith.subi %masked_cumsum3A_26, %get3A_21 : vector<16xi32>
    %reduce_sum3A = arith.constant true
    %reduce_sum3A_28 = vector.broadcast %reduce_sum3A : i1 to vector<16xi1>
    %reduce_sum3A_29 = tpu.scan <sum>, %get3A_19 masked %reduce_sum3A_28 : vector<16xi32>, vector<16xi1> -> vector<16xi32>
    %reduce_sum3A_30 = vector.extract %reduce_sum3A_29[15] : i32 from vector<16xi32>
    %add3A_31 = vector.broadcast %reduce_sum3A_30 : i32 to vector<16xi32>
    %add3A_32 = arith.addi %sub3A_27, %add3A_31 : vector<16xi32>
    %swap3A_33 = arith.constant 0 : index
    %swap3A_34 = tpu.vector_load %arg10[%swap3A_33] {strides = array<i32>} : memref<32xi32, #tpu.memory_space<vmem>>, vector<16xi32>,
    tpu.vector_store %arg10[%swap3A_33], %sub3A {strides = array<i32>} : memref<32xi32, #tpu.memory_space<vmem>>, vector<16xi32>,
    %swap3A_35 = arith.constant 16 : index
    %swap3A_36 = tpu.vector_load %arg10[%swap3A_35] {strides = array<i32>} : memref<32xi32, #tpu.memory_space<vmem>>, vector<16xi32>,
    tpu.vector_store %arg10[%swap3A_35], %add3A_32 {strides = array<i32>} : memref<32xi32, #tpu.memory_space<vmem>>, vector<16xi32>,
    %scan3A_37 = arith.constant 0 : i32
    %scan3A_38 = arith.constant 0 : i32
    %scan3A_39 = arith.constant 0 : i32
    %scan3A_40 = arith.constant 128 : i32
    %scan3A_41 = arith.addi %scan3A_39, %scan3A_40 : i32
    %scan3A_42 = arith.constant 2 : i32
    scf.for %scan3A_314 = %scan3A_39 to %scan3A_41 step %scan3A_42  : i32 {
      %mul3A_315 = arith.constant 16 : i32
      %mul3A_316 = arith.muli %scan3A_314, %mul3A_315 : i32
      %get3A_317 = arith.index_cast %mul3A_316 : i32 to index
      %get3A_318 = tpu.vector_load %arg6[%get3A_317] {strides = array<i32>} : memref<2048xi32, #tpu.memory_space<vmem>>, vector<16xi32>,
      %mul3A_319 = arith.constant 16 : i32
      %mul3A_320 = arith.muli %scan3A_314, %mul3A_319 : i32
      %get3A_321 = arith.index_cast %mul3A_320 : i32 to index
      %get3A_322 = tpu.vector_load %arg7[%get3A_321] {strides = array<i32>} : memref<2048xi32, #tpu.memory_space<vmem>>, vector<16xi32>,
      %shift_right_logical3A = vector.broadcast %scan3A_38 : i32 to vector<16xi32>
      %shift_right_logical3A_323 = arith.shrui %get3A_318, %shift_right_logical3A : vector<16xi32>
      %and3A = arith.constant 31 : i32
      %and3A_324 = vector.broadcast %and3A : i32 to vector<16xi32>
      %and3A_325 = arith.andi %shift_right_logical3A_323, %and3A_324 : vector<16xi32>
      %broadcast_in_dim3A_326 = arith.constant true
      %broadcast_in_dim3A_327 = vector.broadcast %broadcast_in_dim3A_326 : i1 to vector<16xi1>
      %unique3A, %unique3A_328 = tpu.scan_count mask(%broadcast_in_dim3A_327 : vector<16xi1>) value(%and3A_325 : vector<16xi32>) : vector<16xi1>, vector<16xi32>
      %gather3A = tpu.vector_load_idx %arg10[%and3A_325] : memref<32xi32, #tpu.memory_space<vmem>>[vector<16xi32>], vector<16xi32>,
      %add3A_329 = arith.addi %gather3A, %unique3A_328 : vector<16xi32>
      %sub3A_330 = arith.constant 1 : i32
      %sub3A_331 = vector.broadcast %sub3A_330 : i32 to vector<16xi32>
      %sub3A_332 = arith.subi %add3A_329, %sub3A_331 : vector<16xi32>
      tpu.vector_store_idx %arg8[%sub3A_332], %get3A_318 : memref<2048xi32, #tpu.memory_space<vmem>>[vector<16xi32>], vector<16xi32>,
      tpu.vector_store_idx %arg9[%sub3A_332], %get3A_322 : memref<2048xi32, #tpu.memory_space<vmem>>[vector<16xi32>], vector<16xi32>,
      %add3A_333 = arith.addi %gather3A, %unique3A_328 : vector<16xi32>
      tpu.vector_store_idx %arg10[%and3A_325], %add3A_333 masked %unique3A : memref<32xi32, #tpu.memory_space<vmem>>[vector<16xi32>], vector<16xi32>, vector<16xi1>
      %scan3A_334 = arith.constant 1 : i32
      %scan3A_335 = arith.addi %scan3A_314, %scan3A_334 : i32
      %mul3A_336 = arith.constant 16 : i32
      %mul3A_337 = arith.muli %scan3A_335, %mul3A_336 : i32
      %get3A_338 = arith.index_cast %mul3A_337 : i32 to index
      %get3A_339 = tpu.vector_load %arg6[%get3A_338] {strides = array<i32>} : memref<2048xi32, #tpu.memory_space<vmem>>, vector<16xi32>,
      %mul3A_340 = arith.constant 16 : i32
      %mul3A_341 = arith.muli %scan3A_335, %mul3A_340 : i32
      %get3A_342 = arith.index_cast %mul3A_341 : i32 to index
      %get3A_343 = tpu.vector_load %arg7[%get3A_342] {strides = array<i32>} : memref<2048xi32, #tpu.memory_space<vmem>>, vector<16xi32>,
      %shift_right_logical3A_344 = vector.broadcast %scan3A_38 : i32 to vector<16xi32>
      %shift_right_logical3A_345 = arith.shrui %get3A_339, %shift_right_logical3A_344 : vector<16xi32>
      %and3A_346 = arith.constant 31 : i32
      %and3A_347 = vector.broadcast %and3A_346 : i32 to vector<16xi32>
      %and3A_348 = arith.andi %shift_right_logical3A_345, %and3A_347 : vector<16xi32>
      %broadcast_in_dim3A_349 = arith.constant true
      %broadcast_in_dim3A_350 = vector.broadcast %broadcast_in_dim3A_349 : i1 to vector<16xi1>
      %unique3A_351, %unique3A_352 = tpu.scan_count mask(%broadcast_in_dim3A_350 : vector<16xi1>) value(%and3A_348 : vector<16xi32>) : vector<16xi1>, vector<16xi32>
      %gather3A_353 = tpu.vector_load_idx %arg10[%and3A_348] : memref<32xi32, #tpu.memory_space<vmem>>[vector<16xi32>], vector<16xi32>,
      %add3A_354 = arith.addi %gather3A_353, %unique3A_352 : vector<16xi32>
      %sub3A_355 = arith.constant 1 : i32
      %sub3A_356 = vector.broadcast %sub3A_355 : i32 to vector<16xi32>
      %sub3A_357 = arith.subi %add3A_354, %sub3A_356 : vector<16xi32>
      tpu.vector_store_idx %arg8[%sub3A_357], %get3A_339 : memref<2048xi32, #tpu.memory_space<vmem>>[vector<16xi32>], vector<16xi32>,
      tpu.vector_store_idx %arg9[%sub3A_357], %get3A_343 : memref<2048xi32, #tpu.memory_space<vmem>>[vector<16xi32>], vector<16xi32>,
      %add3A_358 = arith.addi %gather3A_353, %unique3A_352 : vector<16xi32>
      tpu.vector_store_idx %arg10[%and3A_348], %add3A_358 masked %unique3A_351 : memref<32xi32, #tpu.memory_space<vmem>>[vector<16xi32>], vector<16xi32>, vector<16xi1>
    }
    %scan3A_43 = arith.constant 128 : i32
    %broadcast_in_dim3A_44 = arith.constant 0 : i32
    %broadcast_in_dim3A_45 = vector.broadcast %broadcast_in_dim3A_44 : i32 to vector<16xi32>
    %swap3A_46 = arith.constant 0 : index
    %swap3A_47 = tpu.vector_load %arg10[%swap3A_46] {strides = array<i32>} : memref<32xi32, #tpu.memory_space<vmem>>, vector<16xi32>,
    tpu.vector_store %arg10[%swap3A_46], %broadcast_in_dim3A_45 {strides = array<i32>} : memref<32xi32, #tpu.memory_space<vmem>>, vector<16xi32>,
    %broadcast_in_dim3A_48 = arith.constant 0 : i32
    %broadcast_in_dim3A_49 = vector.broadcast %broadcast_in_dim3A_48 : i32 to vector<16xi32>
    %swap3A_50 = arith.constant 16 : index
    %swap3A_51 = tpu.vector_load %arg10[%swap3A_50] {strides = array<i32>} : memref<32xi32, #tpu.memory_space<vmem>>, vector<16xi32>,
    tpu.vector_store %arg10[%swap3A_50], %broadcast_in_dim3A_49 {strides = array<i32>} : memref<32xi32, #tpu.memory_space<vmem>>, vector<16xi32>,
    %scan3A_52 = arith.constant 0 : i32
    %scan3A_53 = arith.constant 5 : i32
    %scan3A_54 = arith.constant 0 : i32
    %scan3A_55 = arith.constant 128 : i32
    %scan3A_56 = arith.addi %scan3A_54, %scan3A_55 : i32
    %scan3A_57 = arith.constant 2 : i32
    scf.for %scan3A_314 = %scan3A_54 to %scan3A_56 step %scan3A_57  : i32 {
      %mul3A_315 = arith.constant 16 : i32
      %mul3A_316 = arith.muli %scan3A_314, %mul3A_315 : i32
      %get3A_317 = arith.index_cast %mul3A_316 : i32 to index
      %get3A_318 = tpu.vector_load %arg8[%get3A_317] {strides = array<i32>} : memref<2048xi32, #tpu.memory_space<vmem>>, vector<16xi32>,
      %shift_right_logical3A = vector.broadcast %scan3A_53 : i32 to vector<16xi32>
      %shift_right_logical3A_319 = arith.shrui %get3A_318, %shift_right_logical3A : vector<16xi32>
      %and3A = arith.constant 31 : i32
      %and3A_320 = vector.broadcast %and3A : i32 to vector<16xi32>
      %and3A_321 = arith.andi %shift_right_logical3A_319, %and3A_320 : vector<16xi32>
      %broadcast_in_dim3A_322 = arith.constant true
      %broadcast_in_dim3A_323 = vector.broadcast %broadcast_in_dim3A_322 : i1 to vector<16xi1>
      %unique3A, %unique3A_324 = tpu.scan_count mask(%broadcast_in_dim3A_323 : vector<16xi1>) value(%and3A_321 : vector<16xi32>) : vector<16xi1>, vector<16xi32>
      tpu.vector_store_idx %arg10[%and3A_321], %unique3A_324 masked %unique3A {add = true} : memref<32xi32, #tpu.memory_space<vmem>>[vector<16xi32>], vector<16xi32>, vector<16xi1>
      %scan3A_325 = arith.constant 1 : i32
      %scan3A_326 = arith.addi %scan3A_314, %scan3A_325 : i32
      %mul3A_327 = arith.constant 16 : i32
      %mul3A_328 = arith.muli %scan3A_326, %mul3A_327 : i32
      %get3A_329 = arith.index_cast %mul3A_328 : i32 to index
      %get3A_330 = tpu.vector_load %arg8[%get3A_329] {strides = array<i32>} : memref<2048xi32, #tpu.memory_space<vmem>>, vector<16xi32>,
      %shift_right_logical3A_331 = vector.broadcast %scan3A_53 : i32 to vector<16xi32>
      %shift_right_logical3A_332 = arith.shrui %get3A_330, %shift_right_logical3A_331 : vector<16xi32>
      %and3A_333 = arith.constant 31 : i32
      %and3A_334 = vector.broadcast %and3A_333 : i32 to vector<16xi32>
      %and3A_335 = arith.andi %shift_right_logical3A_332, %and3A_334 : vector<16xi32>
      %broadcast_in_dim3A_336 = arith.constant true
      %broadcast_in_dim3A_337 = vector.broadcast %broadcast_in_dim3A_336 : i1 to vector<16xi1>
      %unique3A_338, %unique3A_339 = tpu.scan_count mask(%broadcast_in_dim3A_337 : vector<16xi1>) value(%and3A_335 : vector<16xi32>) : vector<16xi1>, vector<16xi32>
      tpu.vector_store_idx %arg10[%and3A_335], %unique3A_339 masked %unique3A_338 {add = true} : memref<32xi32, #tpu.memory_space<vmem>>[vector<16xi32>], vector<16xi32>, vector<16xi1>
    }
    %scan3A_58 = arith.constant 128 : i32
    %get3A_59 = arith.constant 0 : index
    %get3A_60 = tpu.vector_load %arg10[%get3A_59] {strides = array<i32>} : memref<32xi32, #tpu.memory_space<vmem>>, vector<16xi32>,
    %get3A_61 = arith.constant 16 : index
    %get3A_62 = tpu.vector_load %arg10[%get3A_61] {strides = array<i32>} : memref<32xi32, #tpu.memory_space<vmem>>, vector<16xi32>,
    %broadcast_in_dim3A_63 = arith.constant true
    %broadcast_in_dim3A_64 = vector.broadcast %broadcast_in_dim3A_63 : i1 to vector<16xi1>
    %masked_cumsum3A_65 = tpu.scan <sum>, %get3A_60 masked %broadcast_in_dim3A_64 : vector<16xi32>, vector<16xi1> -> vector<16xi32>
    %sub3A_66 = arith.subi %masked_cumsum3A_65, %get3A_60 : vector<16xi32>
    %broadcast_in_dim3A_67 = arith.constant true
    %broadcast_in_dim3A_68 = vector.broadcast %broadcast_in_dim3A_67 : i1 to vector<16xi1>
    %masked_cumsum3A_69 = tpu.scan <sum>, %get3A_62 masked %broadcast_in_dim3A_68 : vector<16xi32>, vector<16xi1> -> vector<16xi32>
    %sub3A_70 = arith.subi %masked_cumsum3A_69, %get3A_62 : vector<16xi32>
    %reduce_sum3A_71 = arith.constant true
    %reduce_sum3A_72 = vector.broadcast %reduce_sum3A_71 : i1 to vector<16xi1>
    %reduce_sum3A_73 = tpu.scan <sum>, %get3A_60 masked %reduce_sum3A_72 : vector<16xi32>, vector<16xi1> -> vector<16xi32>
    %reduce_sum3A_74 = vector.extract %reduce_sum3A_73[15] : i32 from vector<16xi32>
    %add3A_75 = vector.broadcast %reduce_sum3A_74 : i32 to vector<16xi32>
    %add3A_76 = arith.addi %sub3A_70, %add3A_75 : vector<16xi32>
    %swap3A_77 = arith.constant 0 : index
    %swap3A_78 = tpu.vector_load %arg10[%swap3A_77] {strides = array<i32>} : memref<32xi32, #tpu.memory_space<vmem>>, vector<16xi32>,
    tpu.vector_store %arg10[%swap3A_77], %sub3A_66 {strides = array<i32>} : memref<32xi32, #tpu.memory_space<vmem>>, vector<16xi32>,
    %swap3A_79 = arith.constant 16 : index
    %swap3A_80 = tpu.vector_load %arg10[%swap3A_79] {strides = array<i32>} : memref<32xi32, #tpu.memory_space<vmem>>, vector<16xi32>,
    tpu.vector_store %arg10[%swap3A_79], %add3A_76 {strides = array<i32>} : memref<32xi32, #tpu.memory_space<vmem>>, vector<16xi32>,
    %scan3A_81 = arith.constant 0 : i32
    %scan3A_82 = arith.constant 5 : i32
    %scan3A_83 = arith.constant 0 : i32
    %scan3A_84 = arith.constant 128 : i32
    %scan3A_85 = arith.addi %scan3A_83, %scan3A_84 : i32
    %scan3A_86 = arith.constant 2 : i32
    scf.for %scan3A_314 = %scan3A_83 to %scan3A_85 step %scan3A_86  : i32 {
      %mul3A_315 = arith.constant 16 : i32
      %mul3A_316 = arith.muli %scan3A_314, %mul3A_315 : i32
      %get3A_317 = arith.index_cast %mul3A_316 : i32 to index
      %get3A_318 = tpu.vector_load %arg8[%get3A_317] {strides = array<i32>} : memref<2048xi32, #tpu.memory_space<vmem>>, vector<16xi32>,
      %mul3A_319 = arith.constant 16 : i32
      %mul3A_320 = arith.muli %scan3A_314, %mul3A_319 : i32
      %get3A_321 = arith.index_cast %mul3A_320 : i32 to index
      %get3A_322 = tpu.vector_load %arg9[%get3A_321] {strides = array<i32>} : memref<2048xi32, #tpu.memory_space<vmem>>, vector<16xi32>,
      %shift_right_logical3A = vector.broadcast %scan3A_82 : i32 to vector<16xi32>
      %shift_right_logical3A_323 = arith.shrui %get3A_318, %shift_right_logical3A : vector<16xi32>
      %and3A = arith.constant 31 : i32
      %and3A_324 = vector.broadcast %and3A : i32 to vector<16xi32>
      %and3A_325 = arith.andi %shift_right_logical3A_323, %and3A_324 : vector<16xi32>
      %broadcast_in_dim3A_326 = arith.constant true
      %broadcast_in_dim3A_327 = vector.broadcast %broadcast_in_dim3A_326 : i1 to vector<16xi1>
      %unique3A, %unique3A_328 = tpu.scan_count mask(%broadcast_in_dim3A_327 : vector<16xi1>) value(%and3A_325 : vector<16xi32>) : vector<16xi1>, vector<16xi32>
      %gather3A = tpu.vector_load_idx %arg10[%and3A_325] : memref<32xi32, #tpu.memory_space<vmem>>[vector<16xi32>], vector<16xi32>,
      %add3A_329 = arith.addi %gather3A, %unique3A_328 : vector<16xi32>
      %sub3A_330 = arith.constant 1 : i32
      %sub3A_331 = vector.broadcast %sub3A_330 : i32 to vector<16xi32>
      %sub3A_332 = arith.subi %add3A_329, %sub3A_331 : vector<16xi32>
      tpu.vector_store_idx %arg6[%sub3A_332], %get3A_318 : memref<2048xi32, #tpu.memory_space<vmem>>[vector<16xi32>], vector<16xi32>,
      tpu.vector_store_idx %arg7[%sub3A_332], %get3A_322 : memref<2048xi32, #tpu.memory_space<vmem>>[vector<16xi32>], vector<16xi32>,
      %add3A_333 = arith.addi %gather3A, %unique3A_328 : vector<16xi32>
      tpu.vector_store_idx %arg10[%and3A_325], %add3A_333 masked %unique3A : memref<32xi32, #tpu.memory_space<vmem>>[vector<16xi32>], vector<16xi32>, vector<16xi1>
      %scan3A_334 = arith.constant 1 : i32
      %scan3A_335 = arith.addi %scan3A_314, %scan3A_334 : i32
      %mul3A_336 = arith.constant 16 : i32
      %mul3A_337 = arith.muli %scan3A_335, %mul3A_336 : i32
      %get3A_338 = arith.index_cast %mul3A_337 : i32 to index
      %get3A_339 = tpu.vector_load %arg8[%get3A_338] {strides = array<i32>} : memref<2048xi32, #tpu.memory_space<vmem>>, vector<16xi32>,
      %mul3A_340 = arith.constant 16 : i32
      %mul3A_341 = arith.muli %scan3A_335, %mul3A_340 : i32
      %get3A_342 = arith.index_cast %mul3A_341 : i32 to index
      %get3A_343 = tpu.vector_load %arg9[%get3A_342] {strides = array<i32>} : memref<2048xi32, #tpu.memory_space<vmem>>, vector<16xi32>,
      %shift_right_logical3A_344 = vector.broadcast %scan3A_82 : i32 to vector<16xi32>
      %shift_right_logical3A_345 = arith.shrui %get3A_339, %shift_right_logical3A_344 : vector<16xi32>
      %and3A_346 = arith.constant 31 : i32
      %and3A_347 = vector.broadcast %and3A_346 : i32 to vector<16xi32>
      %and3A_348 = arith.andi %shift_right_logical3A_345, %and3A_347 : vector<16xi32>
      %broadcast_in_dim3A_349 = arith.constant true
      %broadcast_in_dim3A_350 = vector.broadcast %broadcast_in_dim3A_349 : i1 to vector<16xi1>
      %unique3A_351, %unique3A_352 = tpu.scan_count mask(%broadcast_in_dim3A_350 : vector<16xi1>) value(%and3A_348 : vector<16xi32>) : vector<16xi1>, vector<16xi32>
      %gather3A_353 = tpu.vector_load_idx %arg10[%and3A_348] : memref<32xi32, #tpu.memory_space<vmem>>[vector<16xi32>], vector<16xi32>,
      %add3A_354 = arith.addi %gather3A_353, %unique3A_352 : vector<16xi32>
      %sub3A_355 = arith.constant 1 : i32
      %sub3A_356 = vector.broadcast %sub3A_355 : i32 to vector<16xi32>
      %sub3A_357 = arith.subi %add3A_354, %sub3A_356 : vector<16xi32>
      tpu.vector_store_idx %arg6[%sub3A_357], %get3A_339 : memref<2048xi32, #tpu.memory_space<vmem>>[vector<16xi32>], vector<16xi32>,
      tpu.vector_store_idx %arg7[%sub3A_357], %get3A_343 : memref<2048xi32, #tpu.memory_space<vmem>>[vector<16xi32>], vector<16xi32>,
      %add3A_358 = arith.addi %gather3A_353, %unique3A_352 : vector<16xi32>
      tpu.vector_store_idx %arg10[%and3A_348], %add3A_358 masked %unique3A_351 : memref<32xi32, #tpu.memory_space<vmem>>[vector<16xi32>], vector<16xi32>, vector<16xi1>
    }
    %scan3A_87 = arith.constant 128 : i32
    %broadcast_in_dim3A_88 = arith.constant 0 : i32
    %broadcast_in_dim3A_89 = vector.broadcast %broadcast_in_dim3A_88 : i32 to vector<16xi32>
    %swap3A_90 = arith.constant 0 : index
    %swap3A_91 = tpu.vector_load %arg10[%swap3A_90] {strides = array<i32>} : memref<32xi32, #tpu.memory_space<vmem>>, vector<16xi32>,
    tpu.vector_store %arg10[%swap3A_90], %broadcast_in_dim3A_89 {strides = array<i32>} : memref<32xi32, #tpu.memory_space<vmem>>, vector<16xi32>,
    %broadcast_in_dim3A_92 = arith.constant 0 : i32
    %broadcast_in_dim3A_93 = vector.broadcast %broadcast_in_dim3A_92 : i32 to vector<16xi32>
    %swap3A_94 = arith.constant 16 : index
    %swap3A_95 = tpu.vector_load %arg10[%swap3A_94] {strides = array<i32>} : memref<32xi32, #tpu.memory_space<vmem>>, vector<16xi32>,
    tpu.vector_store %arg10[%swap3A_94], %broadcast_in_dim3A_93 {strides = array<i32>} : memref<32xi32, #tpu.memory_space<vmem>>, vector<16xi32>,
    %scan3A_96 = arith.constant 0 : i32
    %scan3A_97 = arith.constant 10 : i32
    %scan3A_98 = arith.constant 0 : i32
    %scan3A_99 = arith.constant 128 : i32
    %scan3A_100 = arith.addi %scan3A_98, %scan3A_99 : i32
    %scan3A_101 = arith.constant 2 : i32
    scf.for %scan3A_314 = %scan3A_98 to %scan3A_100 step %scan3A_101  : i32 {
      %mul3A_315 = arith.constant 16 : i32
      %mul3A_316 = arith.muli %scan3A_314, %mul3A_315 : i32
      %get3A_317 = arith.index_cast %mul3A_316 : i32 to index
      %get3A_318 = tpu.vector_load %arg6[%get3A_317] {strides = array<i32>} : memref<2048xi32, #tpu.memory_space<vmem>>, vector<16xi32>,
      %shift_right_logical3A = vector.broadcast %scan3A_97 : i32 to vector<16xi32>
      %shift_right_logical3A_319 = arith.shrui %get3A_318, %shift_right_logical3A : vector<16xi32>
      %and3A = arith.constant 31 : i32
      %and3A_320 = vector.broadcast %and3A : i32 to vector<16xi32>
      %and3A_321 = arith.andi %shift_right_logical3A_319, %and3A_320 : vector<16xi32>
      %broadcast_in_dim3A_322 = arith.constant true
      %broadcast_in_dim3A_323 = vector.broadcast %broadcast_in_dim3A_322 : i1 to vector<16xi1>
      %unique3A, %unique3A_324 = tpu.scan_count mask(%broadcast_in_dim3A_323 : vector<16xi1>) value(%and3A_321 : vector<16xi32>) : vector<16xi1>, vector<16xi32>
      tpu.vector_store_idx %arg10[%and3A_321], %unique3A_324 masked %unique3A {add = true} : memref<32xi32, #tpu.memory_space<vmem>>[vector<16xi32>], vector<16xi32>, vector<16xi1>
      %scan3A_325 = arith.constant 1 : i32
      %scan3A_326 = arith.addi %scan3A_314, %scan3A_325 : i32
      %mul3A_327 = arith.constant 16 : i32
      %mul3A_328 = arith.muli %scan3A_326, %mul3A_327 : i32
      %get3A_329 = arith.index_cast %mul3A_328 : i32 to index
      %get3A_330 = tpu.vector_load %arg6[%get3A_329] {strides = array<i32>} : memref<2048xi32, #tpu.memory_space<vmem>>, vector<16xi32>,
      %shift_right_logical3A_331 = vector.broadcast %scan3A_97 : i32 to vector<16xi32>
      %shift_right_logical3A_332 = arith.shrui %get3A_330, %shift_right_logical3A_331 : vector<16xi32>
      %and3A_333 = arith.constant 31 : i32
      %and3A_334 = vector.broadcast %and3A_333 : i32 to vector<16xi32>
      %and3A_335 = arith.andi %shift_right_logical3A_332, %and3A_334 : vector<16xi32>
      %broadcast_in_dim3A_336 = arith.constant true
      %broadcast_in_dim3A_337 = vector.broadcast %broadcast_in_dim3A_336 : i1 to vector<16xi1>
      %unique3A_338, %unique3A_339 = tpu.scan_count mask(%broadcast_in_dim3A_337 : vector<16xi1>) value(%and3A_335 : vector<16xi32>) : vector<16xi1>, vector<16xi32>
      tpu.vector_store_idx %arg10[%and3A_335], %unique3A_339 masked %unique3A_338 {add = true} : memref<32xi32, #tpu.memory_space<vmem>>[vector<16xi32>], vector<16xi32>, vector<16xi1>
    }
    %scan3A_102 = arith.constant 128 : i32
    %get3A_103 = arith.constant 0 : index
    %get3A_104 = tpu.vector_load %arg10[%get3A_103] {strides = array<i32>} : memref<32xi32, #tpu.memory_space<vmem>>, vector<16xi32>,
    %get3A_105 = arith.constant 16 : index
    %get3A_106 = tpu.vector_load %arg10[%get3A_105] {strides = array<i32>} : memref<32xi32, #tpu.memory_space<vmem>>, vector<16xi32>,
    %broadcast_in_dim3A_107 = arith.constant true
    %broadcast_in_dim3A_108 = vector.broadcast %broadcast_in_dim3A_107 : i1 to vector<16xi1>
    %masked_cumsum3A_109 = tpu.scan <sum>, %get3A_104 masked %broadcast_in_dim3A_108 : vector<16xi32>, vector<16xi1> -> vector<16xi32>
    %sub3A_110 = arith.subi %masked_cumsum3A_109, %get3A_104 : vector<16xi32>
    %broadcast_in_dim3A_111 = arith.constant true
    %broadcast_in_dim3A_112 = vector.broadcast %broadcast_in_dim3A_111 : i1 to vector<16xi1>
    %masked_cumsum3A_113 = tpu.scan <sum>, %get3A_106 masked %broadcast_in_dim3A_112 : vector<16xi32>, vector<16xi1> -> vector<16xi32>
    %sub3A_114 = arith.subi %masked_cumsum3A_113, %get3A_106 : vector<16xi32>
    %reduce_sum3A_115 = arith.constant true
    %reduce_sum3A_116 = vector.broadcast %reduce_sum3A_115 : i1 to vector<16xi1>
    %reduce_sum3A_117 = tpu.scan <sum>, %get3A_104 masked %reduce_sum3A_116 : vector<16xi32>, vector<16xi1> -> vector<16xi32>
    %reduce_sum3A_118 = vector.extract %reduce_sum3A_117[15] : i32 from vector<16xi32>
    %add3A_119 = vector.broadcast %reduce_sum3A_118 : i32 to vector<16xi32>
    %add3A_120 = arith.addi %sub3A_114, %add3A_119 : vector<16xi32>
    %swap3A_121 = arith.constant 0 : index
    %swap3A_122 = tpu.vector_load %arg10[%swap3A_121] {strides = array<i32>} : memref<32xi32, #tpu.memory_space<vmem>>, vector<16xi32>,
    tpu.vector_store %arg10[%swap3A_121], %sub3A_110 {strides = array<i32>} : memref<32xi32, #tpu.memory_space<vmem>>, vector<16xi32>,
    %swap3A_123 = arith.constant 16 : index
    %swap3A_124 = tpu.vector_load %arg10[%swap3A_123] {strides = array<i32>} : memref<32xi32, #tpu.memory_space<vmem>>, vector<16xi32>,
    tpu.vector_store %arg10[%swap3A_123], %add3A_120 {strides = array<i32>} : memref<32xi32, #tpu.memory_space<vmem>>, vector<16xi32>,
    %scan3A_125 = arith.constant 0 : i32
    %scan3A_126 = arith.constant 10 : i32
    %scan3A_127 = arith.constant 0 : i32
    %scan3A_128 = arith.constant 128 : i32
    %scan3A_129 = arith.addi %scan3A_127, %scan3A_128 : i32
    %scan3A_130 = arith.constant 2 : i32
    scf.for %scan3A_314 = %scan3A_127 to %scan3A_129 step %scan3A_130  : i32 {
      %mul3A_315 = arith.constant 16 : i32
      %mul3A_316 = arith.muli %scan3A_314, %mul3A_315 : i32
      %get3A_317 = arith.index_cast %mul3A_316 : i32 to index
      %get3A_318 = tpu.vector_load %arg6[%get3A_317] {strides = array<i32>} : memref<2048xi32, #tpu.memory_space<vmem>>, vector<16xi32>,
      %mul3A_319 = arith.constant 16 : i32
      %mul3A_320 = arith.muli %scan3A_314, %mul3A_319 : i32
      %get3A_321 = arith.index_cast %mul3A_320 : i32 to index
      %get3A_322 = tpu.vector_load %arg7[%get3A_321] {strides = array<i32>} : memref<2048xi32, #tpu.memory_space<vmem>>, vector<16xi32>,
      %shift_right_logical3A = vector.broadcast %scan3A_126 : i32 to vector<16xi32>
      %shift_right_logical3A_323 = arith.shrui %get3A_318, %shift_right_logical3A : vector<16xi32>
      %and3A = arith.constant 31 : i32
      %and3A_324 = vector.broadcast %and3A : i32 to vector<16xi32>
      %and3A_325 = arith.andi %shift_right_logical3A_323, %and3A_324 : vector<16xi32>
      %broadcast_in_dim3A_326 = arith.constant true
      %broadcast_in_dim3A_327 = vector.broadcast %broadcast_in_dim3A_326 : i1 to vector<16xi1>
      %unique3A, %unique3A_328 = tpu.scan_count mask(%broadcast_in_dim3A_327 : vector<16xi1>) value(%and3A_325 : vector<16xi32>) : vector<16xi1>, vector<16xi32>
      %gather3A = tpu.vector_load_idx %arg10[%and3A_325] : memref<32xi32, #tpu.memory_space<vmem>>[vector<16xi32>], vector<16xi32>,
      %add3A_329 = arith.addi %gather3A, %unique3A_328 : vector<16xi32>
      %sub3A_330 = arith.constant 1 : i32
      %sub3A_331 = vector.broadcast %sub3A_330 : i32 to vector<16xi32>
      %sub3A_332 = arith.subi %add3A_329, %sub3A_331 : vector<16xi32>
      tpu.vector_store_idx %arg8[%sub3A_332], %get3A_318 : memref<2048xi32, #tpu.memory_space<vmem>>[vector<16xi32>], vector<16xi32>,
      tpu.vector_store_idx %arg9[%sub3A_332], %get3A_322 : memref<2048xi32, #tpu.memory_space<vmem>>[vector<16xi32>], vector<16xi32>,
      %add3A_333 = arith.addi %gather3A, %unique3A_328 : vector<16xi32>
      tpu.vector_store_idx %arg10[%and3A_325], %add3A_333 masked %unique3A : memref<32xi32, #tpu.memory_space<vmem>>[vector<16xi32>], vector<16xi32>, vector<16xi1>
      %scan3A_334 = arith.constant 1 : i32
      %scan3A_335 = arith.addi %scan3A_314, %scan3A_334 : i32
      %mul3A_336 = arith.constant 16 : i32
      %mul3A_337 = arith.muli %scan3A_335, %mul3A_336 : i32
      %get3A_338 = arith.index_cast %mul3A_337 : i32 to index
      %get3A_339 = tpu.vector_load %arg6[%get3A_338] {strides = array<i32>} : memref<2048xi32, #tpu.memory_space<vmem>>, vector<16xi32>,
      %mul3A_340 = arith.constant 16 : i32
      %mul3A_341 = arith.muli %scan3A_335, %mul3A_340 : i32
      %get3A_342 = arith.index_cast %mul3A_341 : i32 to index
      %get3A_343 = tpu.vector_load %arg7[%get3A_342] {strides = array<i32>} : memref<2048xi32, #tpu.memory_space<vmem>>, vector<16xi32>,
      %shift_right_logical3A_344 = vector.broadcast %scan3A_126 : i32 to vector<16xi32>
      %shift_right_logical3A_345 = arith.shrui %get3A_339, %shift_right_logical3A_344 : vector<16xi32>
      %and3A_346 = arith.constant 31 : i32
      %and3A_347 = vector.broadcast %and3A_346 : i32 to vector<16xi32>
      %and3A_348 = arith.andi %shift_right_logical3A_345, %and3A_347 : vector<16xi32>
      %broadcast_in_dim3A_349 = arith.constant true
      %broadcast_in_dim3A_350 = vector.broadcast %broadcast_in_dim3A_349 : i1 to vector<16xi1>
      %unique3A_351, %unique3A_352 = tpu.scan_count mask(%broadcast_in_dim3A_350 : vector<16xi1>) value(%and3A_348 : vector<16xi32>) : vector<16xi1>, vector<16xi32>
      %gather3A_353 = tpu.vector_load_idx %arg10[%and3A_348] : memref<32xi32, #tpu.memory_space<vmem>>[vector<16xi32>], vector<16xi32>,
      %add3A_354 = arith.addi %gather3A_353, %unique3A_352 : vector<16xi32>
      %sub3A_355 = arith.constant 1 : i32
      %sub3A_356 = vector.broadcast %sub3A_355 : i32 to vector<16xi32>
      %sub3A_357 = arith.subi %add3A_354, %sub3A_356 : vector<16xi32>
      tpu.vector_store_idx %arg8[%sub3A_357], %get3A_339 : memref<2048xi32, #tpu.memory_space<vmem>>[vector<16xi32>], vector<16xi32>,
      tpu.vector_store_idx %arg9[%sub3A_357], %get3A_343 : memref<2048xi32, #tpu.memory_space<vmem>>[vector<16xi32>], vector<16xi32>,
      %add3A_358 = arith.addi %gather3A_353, %unique3A_352 : vector<16xi32>
      tpu.vector_store_idx %arg10[%and3A_348], %add3A_358 masked %unique3A_351 : memref<32xi32, #tpu.memory_space<vmem>>[vector<16xi32>], vector<16xi32>, vector<16xi1>
    }
    %scan3A_131 = arith.constant 128 : i32
    %broadcast_in_dim3A_132 = arith.constant 0 : i32
    %broadcast_in_dim3A_133 = vector.broadcast %broadcast_in_dim3A_132 : i32 to vector<16xi32>
    %swap3A_134 = arith.constant 0 : index
    %swap3A_135 = tpu.vector_load %arg10[%swap3A_134] {strides = array<i32>} : memref<32xi32, #tpu.memory_space<vmem>>, vector<16xi32>,
    tpu.vector_store %arg10[%swap3A_134], %broadcast_in_dim3A_133 {strides = array<i32>} : memref<32xi32, #tpu.memory_space<vmem>>, vector<16xi32>,
    %broadcast_in_dim3A_136 = arith.constant 0 : i32
    %broadcast_in_dim3A_137 = vector.broadcast %broadcast_in_dim3A_136 : i32 to vector<16xi32>
    %swap3A_138 = arith.constant 16 : index
    %swap3A_139 = tpu.vector_load %arg10[%swap3A_138] {strides = array<i32>} : memref<32xi32, #tpu.memory_space<vmem>>, vector<16xi32>,
    tpu.vector_store %arg10[%swap3A_138], %broadcast_in_dim3A_137 {strides = array<i32>} : memref<32xi32, #tpu.memory_space<vmem>>, vector<16xi32>,
    %scan3A_140 = arith.constant 0 : i32
    %scan3A_141 = arith.constant 15 : i32
    %scan3A_142 = arith.constant 0 : i32
    %scan3A_143 = arith.constant 128 : i32
    %scan3A_144 = arith.addi %scan3A_142, %scan3A_143 : i32
    %scan3A_145 = arith.constant 2 : i32
    scf.for %scan3A_314 = %scan3A_142 to %scan3A_144 step %scan3A_145  : i32 {
      %mul3A_315 = arith.constant 16 : i32
      %mul3A_316 = arith.muli %scan3A_314, %mul3A_315 : i32
      %get3A_317 = arith.index_cast %mul3A_316 : i32 to index
      %get3A_318 = tpu.vector_load %arg8[%get3A_317] {strides = array<i32>} : memref<2048xi32, #tpu.memory_space<vmem>>, vector<16xi32>,
      %shift_right_logical3A = vector.broadcast %scan3A_141 : i32 to vector<16xi32>
      %shift_right_logical3A_319 = arith.shrui %get3A_318, %shift_right_logical3A : vector<16xi32>
      %and3A = arith.constant 31 : i32
      %and3A_320 = vector.broadcast %and3A : i32 to vector<16xi32>
      %and3A_321 = arith.andi %shift_right_logical3A_319, %and3A_320 : vector<16xi32>
      %broadcast_in_dim3A_322 = arith.constant true
      %broadcast_in_dim3A_323 = vector.broadcast %broadcast_in_dim3A_322 : i1 to vector<16xi1>
      %unique3A, %unique3A_324 = tpu.scan_count mask(%broadcast_in_dim3A_323 : vector<16xi1>) value(%and3A_321 : vector<16xi32>) : vector<16xi1>, vector<16xi32>
      tpu.vector_store_idx %arg10[%and3A_321], %unique3A_324 masked %unique3A {add = true} : memref<32xi32, #tpu.memory_space<vmem>>[vector<16xi32>], vector<16xi32>, vector<16xi1>
      %scan3A_325 = arith.constant 1 : i32
      %scan3A_326 = arith.addi %scan3A_314, %scan3A_325 : i32
      %mul3A_327 = arith.constant 16 : i32
      %mul3A_328 = arith.muli %scan3A_326, %mul3A_327 : i32
      %get3A_329 = arith.index_cast %mul3A_328 : i32 to index
      %get3A_330 = tpu.vector_load %arg8[%get3A_329] {strides = array<i32>} : memref<2048xi32, #tpu.memory_space<vmem>>, vector<16xi32>,
      %shift_right_logical3A_331 = vector.broadcast %scan3A_141 : i32 to vector<16xi32>
      %shift_right_logical3A_332 = arith.shrui %get3A_330, %shift_right_logical3A_331 : vector<16xi32>
      %and3A_333 = arith.constant 31 : i32
      %and3A_334 = vector.broadcast %and3A_333 : i32 to vector<16xi32>
      %and3A_335 = arith.andi %shift_right_logical3A_332, %and3A_334 : vector<16xi32>
      %broadcast_in_dim3A_336 = arith.constant true
      %broadcast_in_dim3A_337 = vector.broadcast %broadcast_in_dim3A_336 : i1 to vector<16xi1>
      %unique3A_338, %unique3A_339 = tpu.scan_count mask(%broadcast_in_dim3A_337 : vector<16xi1>) value(%and3A_335 : vector<16xi32>) : vector<16xi1>, vector<16xi32>
      tpu.vector_store_idx %arg10[%and3A_335], %unique3A_339 masked %unique3A_338 {add = true} : memref<32xi32, #tpu.memory_space<vmem>>[vector<16xi32>], vector<16xi32>, vector<16xi1>
    }
    %scan3A_146 = arith.constant 128 : i32
    %get3A_147 = arith.constant 0 : index
    %get3A_148 = tpu.vector_load %arg10[%get3A_147] {strides = array<i32>} : memref<32xi32, #tpu.memory_space<vmem>>, vector<16xi32>,
    %get3A_149 = arith.constant 16 : index
    %get3A_150 = tpu.vector_load %arg10[%get3A_149] {strides = array<i32>} : memref<32xi32, #tpu.memory_space<vmem>>, vector<16xi32>,
    %broadcast_in_dim3A_151 = arith.constant true
    %broadcast_in_dim3A_152 = vector.broadcast %broadcast_in_dim3A_151 : i1 to vector<16xi1>
    %masked_cumsum3A_153 = tpu.scan <sum>, %get3A_148 masked %broadcast_in_dim3A_152 : vector<16xi32>, vector<16xi1> -> vector<16xi32>
    %sub3A_154 = arith.subi %masked_cumsum3A_153, %get3A_148 : vector<16xi32>
    %broadcast_in_dim3A_155 = arith.constant true
    %broadcast_in_dim3A_156 = vector.broadcast %broadcast_in_dim3A_155 : i1 to vector<16xi1>
    %masked_cumsum3A_157 = tpu.scan <sum>, %get3A_150 masked %broadcast_in_dim3A_156 : vector<16xi32>, vector<16xi1> -> vector<16xi32>
    %sub3A_158 = arith.subi %masked_cumsum3A_157, %get3A_150 : vector<16xi32>
    %reduce_sum3A_159 = arith.constant true
    %reduce_sum3A_160 = vector.broadcast %reduce_sum3A_159 : i1 to vector<16xi1>
    %reduce_sum3A_161 = tpu.scan <sum>, %get3A_148 masked %reduce_sum3A_160 : vector<16xi32>, vector<16xi1> -> vector<16xi32>
    %reduce_sum3A_162 = vector.extract %reduce_sum3A_161[15] : i32 from vector<16xi32>
    %add3A_163 = vector.broadcast %reduce_sum3A_162 : i32 to vector<16xi32>
    %add3A_164 = arith.addi %sub3A_158, %add3A_163 : vector<16xi32>
    %swap3A_165 = arith.constant 0 : index
    %swap3A_166 = tpu.vector_load %arg10[%swap3A_165] {strides = array<i32>} : memref<32xi32, #tpu.memory_space<vmem>>, vector<16xi32>,
    tpu.vector_store %arg10[%swap3A_165], %sub3A_154 {strides = array<i32>} : memref<32xi32, #tpu.memory_space<vmem>>, vector<16xi32>,
    %swap3A_167 = arith.constant 16 : index
    %swap3A_168 = tpu.vector_load %arg10[%swap3A_167] {strides = array<i32>} : memref<32xi32, #tpu.memory_space<vmem>>, vector<16xi32>,
    tpu.vector_store %arg10[%swap3A_167], %add3A_164 {strides = array<i32>} : memref<32xi32, #tpu.memory_space<vmem>>, vector<16xi32>,
    %scan3A_169 = arith.constant 0 : i32
    %scan3A_170 = arith.constant 15 : i32
    %scan3A_171 = arith.constant 0 : i32
    %scan3A_172 = arith.constant 128 : i32
    %scan3A_173 = arith.addi %scan3A_171, %scan3A_172 : i32
    %scan3A_174 = arith.constant 2 : i32
    scf.for %scan3A_314 = %scan3A_171 to %scan3A_173 step %scan3A_174  : i32 {
      %mul3A_315 = arith.constant 16 : i32
      %mul3A_316 = arith.muli %scan3A_314, %mul3A_315 : i32
      %get3A_317 = arith.index_cast %mul3A_316 : i32 to index
      %get3A_318 = tpu.vector_load %arg8[%get3A_317] {strides = array<i32>} : memref<2048xi32, #tpu.memory_space<vmem>>, vector<16xi32>,
      %mul3A_319 = arith.constant 16 : i32
      %mul3A_320 = arith.muli %scan3A_314, %mul3A_319 : i32
      %get3A_321 = arith.index_cast %mul3A_320 : i32 to index
      %get3A_322 = tpu.vector_load %arg9[%get3A_321] {strides = array<i32>} : memref<2048xi32, #tpu.memory_space<vmem>>, vector<16xi32>,
      %shift_right_logical3A = vector.broadcast %scan3A_170 : i32 to vector<16xi32>
      %shift_right_logical3A_323 = arith.shrui %get3A_318, %shift_right_logical3A : vector<16xi32>
      %and3A = arith.constant 31 : i32
      %and3A_324 = vector.broadcast %and3A : i32 to vector<16xi32>
      %and3A_325 = arith.andi %shift_right_logical3A_323, %and3A_324 : vector<16xi32>
      %broadcast_in_dim3A_326 = arith.constant true
      %broadcast_in_dim3A_327 = vector.broadcast %broadcast_in_dim3A_326 : i1 to vector<16xi1>
      %unique3A, %unique3A_328 = tpu.scan_count mask(%broadcast_in_dim3A_327 : vector<16xi1>) value(%and3A_325 : vector<16xi32>) : vector<16xi1>, vector<16xi32>
      %gather3A = tpu.vector_load_idx %arg10[%and3A_325] : memref<32xi32, #tpu.memory_space<vmem>>[vector<16xi32>], vector<16xi32>,
      %add3A_329 = arith.addi %gather3A, %unique3A_328 : vector<16xi32>
      %sub3A_330 = arith.constant 1 : i32
      %sub3A_331 = vector.broadcast %sub3A_330 : i32 to vector<16xi32>
      %sub3A_332 = arith.subi %add3A_329, %sub3A_331 : vector<16xi32>
      tpu.vector_store_idx %arg6[%sub3A_332], %get3A_318 : memref<2048xi32, #tpu.memory_space<vmem>>[vector<16xi32>], vector<16xi32>,
      tpu.vector_store_idx %arg7[%sub3A_332], %get3A_322 : memref<2048xi32, #tpu.memory_space<vmem>>[vector<16xi32>], vector<16xi32>,
      %add3A_333 = arith.addi %gather3A, %unique3A_328 : vector<16xi32>
      tpu.vector_store_idx %arg10[%and3A_325], %add3A_333 masked %unique3A : memref<32xi32, #tpu.memory_space<vmem>>[vector<16xi32>], vector<16xi32>, vector<16xi1>
      %scan3A_334 = arith.constant 1 : i32
      %scan3A_335 = arith.addi %scan3A_314, %scan3A_334 : i32
      %mul3A_336 = arith.constant 16 : i32
      %mul3A_337 = arith.muli %scan3A_335, %mul3A_336 : i32
      %get3A_338 = arith.index_cast %mul3A_337 : i32 to index
      %get3A_339 = tpu.vector_load %arg8[%get3A_338] {strides = array<i32>} : memref<2048xi32, #tpu.memory_space<vmem>>, vector<16xi32>,
      %mul3A_340 = arith.constant 16 : i32
      %mul3A_341 = arith.muli %scan3A_335, %mul3A_340 : i32
      %get3A_342 = arith.index_cast %mul3A_341 : i32 to index
      %get3A_343 = tpu.vector_load %arg9[%get3A_342] {strides = array<i32>} : memref<2048xi32, #tpu.memory_space<vmem>>, vector<16xi32>,
      %shift_right_logical3A_344 = vector.broadcast %scan3A_170 : i32 to vector<16xi32>
      %shift_right_logical3A_345 = arith.shrui %get3A_339, %shift_right_logical3A_344 : vector<16xi32>
      %and3A_346 = arith.constant 31 : i32
      %and3A_347 = vector.broadcast %and3A_346 : i32 to vector<16xi32>
      %and3A_348 = arith.andi %shift_right_logical3A_345, %and3A_347 : vector<16xi32>
      %broadcast_in_dim3A_349 = arith.constant true
      %broadcast_in_dim3A_350 = vector.broadcast %broadcast_in_dim3A_349 : i1 to vector<16xi1>
      %unique3A_351, %unique3A_352 = tpu.scan_count mask(%broadcast_in_dim3A_350 : vector<16xi1>) value(%and3A_348 : vector<16xi32>) : vector<16xi1>, vector<16xi32>
      %gather3A_353 = tpu.vector_load_idx %arg10[%and3A_348] : memref<32xi32, #tpu.memory_space<vmem>>[vector<16xi32>], vector<16xi32>,
      %add3A_354 = arith.addi %gather3A_353, %unique3A_352 : vector<16xi32>
      %sub3A_355 = arith.constant 1 : i32
      %sub3A_356 = vector.broadcast %sub3A_355 : i32 to vector<16xi32>
      %sub3A_357 = arith.subi %add3A_354, %sub3A_356 : vector<16xi32>
      tpu.vector_store_idx %arg6[%sub3A_357], %get3A_339 : memref<2048xi32, #tpu.memory_space<vmem>>[vector<16xi32>], vector<16xi32>,
      tpu.vector_store_idx %arg7[%sub3A_357], %get3A_343 : memref<2048xi32, #tpu.memory_space<vmem>>[vector<16xi32>], vector<16xi32>,
      %add3A_358 = arith.addi %gather3A_353, %unique3A_352 : vector<16xi32>
      tpu.vector_store_idx %arg10[%and3A_348], %add3A_358 masked %unique3A_351 : memref<32xi32, #tpu.memory_space<vmem>>[vector<16xi32>], vector<16xi32>, vector<16xi1>
    }
    %scan3A_175 = arith.constant 128 : i32
    %broadcast_in_dim3A_176 = arith.constant 0 : i32
    %broadcast_in_dim3A_177 = vector.broadcast %broadcast_in_dim3A_176 : i32 to vector<16xi32>
    %swap3A_178 = arith.constant 0 : index
    %swap3A_179 = tpu.vector_load %arg10[%swap3A_178] {strides = array<i32>} : memref<32xi32, #tpu.memory_space<vmem>>, vector<16xi32>,
    tpu.vector_store %arg10[%swap3A_178], %broadcast_in_dim3A_177 {strides = array<i32>} : memref<32xi32, #tpu.memory_space<vmem>>, vector<16xi32>,
    %broadcast_in_dim3A_180 = arith.constant 0 : i32
    %broadcast_in_dim3A_181 = vector.broadcast %broadcast_in_dim3A_180 : i32 to vector<16xi32>
    %swap3A_182 = arith.constant 16 : index
    %swap3A_183 = tpu.vector_load %arg10[%swap3A_182] {strides = array<i32>} : memref<32xi32, #tpu.memory_space<vmem>>, vector<16xi32>,
    tpu.vector_store %arg10[%swap3A_182], %broadcast_in_dim3A_181 {strides = array<i32>} : memref<32xi32, #tpu.memory_space<vmem>>, vector<16xi32>,
    %scan3A_184 = arith.constant 0 : i32
    %scan3A_185 = arith.constant 20 : i32
    %scan3A_186 = arith.constant 0 : i32
    %scan3A_187 = arith.constant 128 : i32
    %scan3A_188 = arith.addi %scan3A_186, %scan3A_187 : i32
    %scan3A_189 = arith.constant 2 : i32
    scf.for %scan3A_314 = %scan3A_186 to %scan3A_188 step %scan3A_189  : i32 {
      %mul3A_315 = arith.constant 16 : i32
      %mul3A_316 = arith.muli %scan3A_314, %mul3A_315 : i32
      %get3A_317 = arith.index_cast %mul3A_316 : i32 to index
      %get3A_318 = tpu.vector_load %arg6[%get3A_317] {strides = array<i32>} : memref<2048xi32, #tpu.memory_space<vmem>>, vector<16xi32>,
      %shift_right_logical3A = vector.broadcast %scan3A_185 : i32 to vector<16xi32>
      %shift_right_logical3A_319 = arith.shrui %get3A_318, %shift_right_logical3A : vector<16xi32>
      %and3A = arith.constant 31 : i32
      %and3A_320 = vector.broadcast %and3A : i32 to vector<16xi32>
      %and3A_321 = arith.andi %shift_right_logical3A_319, %and3A_320 : vector<16xi32>
      %broadcast_in_dim3A_322 = arith.constant true
      %broadcast_in_dim3A_323 = vector.broadcast %broadcast_in_dim3A_322 : i1 to vector<16xi1>
      %unique3A, %unique3A_324 = tpu.scan_count mask(%broadcast_in_dim3A_323 : vector<16xi1>) value(%and3A_321 : vector<16xi32>) : vector<16xi1>, vector<16xi32>
      tpu.vector_store_idx %arg10[%and3A_321], %unique3A_324 masked %unique3A {add = true} : memref<32xi32, #tpu.memory_space<vmem>>[vector<16xi32>], vector<16xi32>, vector<16xi1>
      %scan3A_325 = arith.constant 1 : i32
      %scan3A_326 = arith.addi %scan3A_314, %scan3A_325 : i32
      %mul3A_327 = arith.constant 16 : i32
      %mul3A_328 = arith.muli %scan3A_326, %mul3A_327 : i32
      %get3A_329 = arith.index_cast %mul3A_328 : i32 to index
      %get3A_330 = tpu.vector_load %arg6[%get3A_329] {strides = array<i32>} : memref<2048xi32, #tpu.memory_space<vmem>>, vector<16xi32>,
      %shift_right_logical3A_331 = vector.broadcast %scan3A_185 : i32 to vector<16xi32>
      %shift_right_logical3A_332 = arith.shrui %get3A_330, %shift_right_logical3A_331 : vector<16xi32>
      %and3A_333 = arith.constant 31 : i32
      %and3A_334 = vector.broadcast %and3A_333 : i32 to vector<16xi32>
      %and3A_335 = arith.andi %shift_right_logical3A_332, %and3A_334 : vector<16xi32>
      %broadcast_in_dim3A_336 = arith.constant true
      %broadcast_in_dim3A_337 = vector.broadcast %broadcast_in_dim3A_336 : i1 to vector<16xi1>
      %unique3A_338, %unique3A_339 = tpu.scan_count mask(%broadcast_in_dim3A_337 : vector<16xi1>) value(%and3A_335 : vector<16xi32>) : vector<16xi1>, vector<16xi32>
      tpu.vector_store_idx %arg10[%and3A_335], %unique3A_339 masked %unique3A_338 {add = true} : memref<32xi32, #tpu.memory_space<vmem>>[vector<16xi32>], vector<16xi32>, vector<16xi1>
    }
    %scan3A_190 = arith.constant 128 : i32
    %get3A_191 = arith.constant 0 : index
    %get3A_192 = tpu.vector_load %arg10[%get3A_191] {strides = array<i32>} : memref<32xi32, #tpu.memory_space<vmem>>, vector<16xi32>,
    %get3A_193 = arith.constant 16 : index
    %get3A_194 = tpu.vector_load %arg10[%get3A_193] {strides = array<i32>} : memref<32xi32, #tpu.memory_space<vmem>>, vector<16xi32>,
    %broadcast_in_dim3A_195 = arith.constant true
    %broadcast_in_dim3A_196 = vector.broadcast %broadcast_in_dim3A_195 : i1 to vector<16xi1>
    %masked_cumsum3A_197 = tpu.scan <sum>, %get3A_192 masked %broadcast_in_dim3A_196 : vector<16xi32>, vector<16xi1> -> vector<16xi32>
    %sub3A_198 = arith.subi %masked_cumsum3A_197, %get3A_192 : vector<16xi32>
    %broadcast_in_dim3A_199 = arith.constant true
    %broadcast_in_dim3A_200 = vector.broadcast %broadcast_in_dim3A_199 : i1 to vector<16xi1>
    %masked_cumsum3A_201 = tpu.scan <sum>, %get3A_194 masked %broadcast_in_dim3A_200 : vector<16xi32>, vector<16xi1> -> vector<16xi32>
    %sub3A_202 = arith.subi %masked_cumsum3A_201, %get3A_194 : vector<16xi32>
    %reduce_sum3A_203 = arith.constant true
    %reduce_sum3A_204 = vector.broadcast %reduce_sum3A_203 : i1 to vector<16xi1>
    %reduce_sum3A_205 = tpu.scan <sum>, %get3A_192 masked %reduce_sum3A_204 : vector<16xi32>, vector<16xi1> -> vector<16xi32>
    %reduce_sum3A_206 = vector.extract %reduce_sum3A_205[15] : i32 from vector<16xi32>
    %add3A_207 = vector.broadcast %reduce_sum3A_206 : i32 to vector<16xi32>
    %add3A_208 = arith.addi %sub3A_202, %add3A_207 : vector<16xi32>
    %swap3A_209 = arith.constant 0 : index
    %swap3A_210 = tpu.vector_load %arg10[%swap3A_209] {strides = array<i32>} : memref<32xi32, #tpu.memory_space<vmem>>, vector<16xi32>,
    tpu.vector_store %arg10[%swap3A_209], %sub3A_198 {strides = array<i32>} : memref<32xi32, #tpu.memory_space<vmem>>, vector<16xi32>,
    %swap3A_211 = arith.constant 16 : index
    %swap3A_212 = tpu.vector_load %arg10[%swap3A_211] {strides = array<i32>} : memref<32xi32, #tpu.memory_space<vmem>>, vector<16xi32>,
    tpu.vector_store %arg10[%swap3A_211], %add3A_208 {strides = array<i32>} : memref<32xi32, #tpu.memory_space<vmem>>, vector<16xi32>,
    %scan3A_213 = arith.constant 0 : i32
    %scan3A_214 = arith.constant 20 : i32
    %scan3A_215 = arith.constant 0 : i32
    %scan3A_216 = arith.constant 128 : i32
    %scan3A_217 = arith.addi %scan3A_215, %scan3A_216 : i32
    %scan3A_218 = arith.constant 2 : i32
    scf.for %scan3A_314 = %scan3A_215 to %scan3A_217 step %scan3A_218  : i32 {
      %mul3A_315 = arith.constant 16 : i32
      %mul3A_316 = arith.muli %scan3A_314, %mul3A_315 : i32
      %get3A_317 = arith.index_cast %mul3A_316 : i32 to index
      %get3A_318 = tpu.vector_load %arg6[%get3A_317] {strides = array<i32>} : memref<2048xi32, #tpu.memory_space<vmem>>, vector<16xi32>,
      %mul3A_319 = arith.constant 16 : i32
      %mul3A_320 = arith.muli %scan3A_314, %mul3A_319 : i32
      %get3A_321 = arith.index_cast %mul3A_320 : i32 to index
      %get3A_322 = tpu.vector_load %arg7[%get3A_321] {strides = array<i32>} : memref<2048xi32, #tpu.memory_space<vmem>>, vector<16xi32>,
      %shift_right_logical3A = vector.broadcast %scan3A_214 : i32 to vector<16xi32>
      %shift_right_logical3A_323 = arith.shrui %get3A_318, %shift_right_logical3A : vector<16xi32>
      %and3A = arith.constant 31 : i32
      %and3A_324 = vector.broadcast %and3A : i32 to vector<16xi32>
      %and3A_325 = arith.andi %shift_right_logical3A_323, %and3A_324 : vector<16xi32>
      %broadcast_in_dim3A_326 = arith.constant true
      %broadcast_in_dim3A_327 = vector.broadcast %broadcast_in_dim3A_326 : i1 to vector<16xi1>
      %unique3A, %unique3A_328 = tpu.scan_count mask(%broadcast_in_dim3A_327 : vector<16xi1>) value(%and3A_325 : vector<16xi32>) : vector<16xi1>, vector<16xi32>
      %gather3A = tpu.vector_load_idx %arg10[%and3A_325] : memref<32xi32, #tpu.memory_space<vmem>>[vector<16xi32>], vector<16xi32>,
      %add3A_329 = arith.addi %gather3A, %unique3A_328 : vector<16xi32>
      %sub3A_330 = arith.constant 1 : i32
      %sub3A_331 = vector.broadcast %sub3A_330 : i32 to vector<16xi32>
      %sub3A_332 = arith.subi %add3A_329, %sub3A_331 : vector<16xi32>
      tpu.vector_store_idx %arg8[%sub3A_332], %get3A_318 : memref<2048xi32, #tpu.memory_space<vmem>>[vector<16xi32>], vector<16xi32>,
      tpu.vector_store_idx %arg9[%sub3A_332], %get3A_322 : memref<2048xi32, #tpu.memory_space<vmem>>[vector<16xi32>], vector<16xi32>,
      %add3A_333 = arith.addi %gather3A, %unique3A_328 : vector<16xi32>
      tpu.vector_store_idx %arg10[%and3A_325], %add3A_333 masked %unique3A : memref<32xi32, #tpu.memory_space<vmem>>[vector<16xi32>], vector<16xi32>, vector<16xi1>
      %scan3A_334 = arith.constant 1 : i32
      %scan3A_335 = arith.addi %scan3A_314, %scan3A_334 : i32
      %mul3A_336 = arith.constant 16 : i32
      %mul3A_337 = arith.muli %scan3A_335, %mul3A_336 : i32
      %get3A_338 = arith.index_cast %mul3A_337 : i32 to index
      %get3A_339 = tpu.vector_load %arg6[%get3A_338] {strides = array<i32>} : memref<2048xi32, #tpu.memory_space<vmem>>, vector<16xi32>,
      %mul3A_340 = arith.constant 16 : i32
      %mul3A_341 = arith.muli %scan3A_335, %mul3A_340 : i32
      %get3A_342 = arith.index_cast %mul3A_341 : i32 to index
      %get3A_343 = tpu.vector_load %arg7[%get3A_342] {strides = array<i32>} : memref<2048xi32, #tpu.memory_space<vmem>>, vector<16xi32>,
      %shift_right_logical3A_344 = vector.broadcast %scan3A_214 : i32 to vector<16xi32>
      %shift_right_logical3A_345 = arith.shrui %get3A_339, %shift_right_logical3A_344 : vector<16xi32>
      %and3A_346 = arith.constant 31 : i32
      %and3A_347 = vector.broadcast %and3A_346 : i32 to vector<16xi32>
      %and3A_348 = arith.andi %shift_right_logical3A_345, %and3A_347 : vector<16xi32>
      %broadcast_in_dim3A_349 = arith.constant true
      %broadcast_in_dim3A_350 = vector.broadcast %broadcast_in_dim3A_349 : i1 to vector<16xi1>
      %unique3A_351, %unique3A_352 = tpu.scan_count mask(%broadcast_in_dim3A_350 : vector<16xi1>) value(%and3A_348 : vector<16xi32>) : vector<16xi1>, vector<16xi32>
      %gather3A_353 = tpu.vector_load_idx %arg10[%and3A_348] : memref<32xi32, #tpu.memory_space<vmem>>[vector<16xi32>], vector<16xi32>,
      %add3A_354 = arith.addi %gather3A_353, %unique3A_352 : vector<16xi32>
      %sub3A_355 = arith.constant 1 : i32
      %sub3A_356 = vector.broadcast %sub3A_355 : i32 to vector<16xi32>
      %sub3A_357 = arith.subi %add3A_354, %sub3A_356 : vector<16xi32>
      tpu.vector_store_idx %arg8[%sub3A_357], %get3A_339 : memref<2048xi32, #tpu.memory_space<vmem>>[vector<16xi32>], vector<16xi32>,
      tpu.vector_store_idx %arg9[%sub3A_357], %get3A_343 : memref<2048xi32, #tpu.memory_space<vmem>>[vector<16xi32>], vector<16xi32>,
      %add3A_358 = arith.addi %gather3A_353, %unique3A_352 : vector<16xi32>
      tpu.vector_store_idx %arg10[%and3A_348], %add3A_358 masked %unique3A_351 : memref<32xi32, #tpu.memory_space<vmem>>[vector<16xi32>], vector<16xi32>, vector<16xi1>
    }
    %scan3A_219 = arith.constant 128 : i32
    %broadcast_in_dim3A_220 = arith.constant 0 : i32
    %broadcast_in_dim3A_221 = vector.broadcast %broadcast_in_dim3A_220 : i32 to vector<16xi32>
    %swap3A_222 = arith.constant 0 : index
    %swap3A_223 = tpu.vector_load %arg10[%swap3A_222] {strides = array<i32>} : memref<32xi32, #tpu.memory_space<vmem>>, vector<16xi32>,
    tpu.vector_store %arg10[%swap3A_222], %broadcast_in_dim3A_221 {strides = array<i32>} : memref<32xi32, #tpu.memory_space<vmem>>, vector<16xi32>,
    %broadcast_in_dim3A_224 = arith.constant 0 : i32
    %broadcast_in_dim3A_225 = vector.broadcast %broadcast_in_dim3A_224 : i32 to vector<16xi32>
    %swap3A_226 = arith.constant 16 : index
    %swap3A_227 = tpu.vector_load %arg10[%swap3A_226] {strides = array<i32>} : memref<32xi32, #tpu.memory_space<vmem>>, vector<16xi32>,
    tpu.vector_store %arg10[%swap3A_226], %broadcast_in_dim3A_225 {strides = array<i32>} : memref<32xi32, #tpu.memory_space<vmem>>, vector<16xi32>,
    %scan3A_228 = arith.constant 0 : i32
    %scan3A_229 = arith.constant 25 : i32
    %scan3A_230 = arith.constant 0 : i32
    %scan3A_231 = arith.constant 128 : i32
    %scan3A_232 = arith.addi %scan3A_230, %scan3A_231 : i32
    %scan3A_233 = arith.constant 2 : i32
    scf.for %scan3A_314 = %scan3A_230 to %scan3A_232 step %scan3A_233  : i32 {
      %mul3A_315 = arith.constant 16 : i32
      %mul3A_316 = arith.muli %scan3A_314, %mul3A_315 : i32
      %get3A_317 = arith.index_cast %mul3A_316 : i32 to index
      %get3A_318 = tpu.vector_load %arg8[%get3A_317] {strides = array<i32>} : memref<2048xi32, #tpu.memory_space<vmem>>, vector<16xi32>,
      %shift_right_logical3A = vector.broadcast %scan3A_229 : i32 to vector<16xi32>
      %shift_right_logical3A_319 = arith.shrui %get3A_318, %shift_right_logical3A : vector<16xi32>
      %and3A = arith.constant 31 : i32
      %and3A_320 = vector.broadcast %and3A : i32 to vector<16xi32>
      %and3A_321 = arith.andi %shift_right_logical3A_319, %and3A_320 : vector<16xi32>
      %broadcast_in_dim3A_322 = arith.constant true
      %broadcast_in_dim3A_323 = vector.broadcast %broadcast_in_dim3A_322 : i1 to vector<16xi1>
      %unique3A, %unique3A_324 = tpu.scan_count mask(%broadcast_in_dim3A_323 : vector<16xi1>) value(%and3A_321 : vector<16xi32>) : vector<16xi1>, vector<16xi32>
      tpu.vector_store_idx %arg10[%and3A_321], %unique3A_324 masked %unique3A {add = true} : memref<32xi32, #tpu.memory_space<vmem>>[vector<16xi32>], vector<16xi32>, vector<16xi1>
      %scan3A_325 = arith.constant 1 : i32
      %scan3A_326 = arith.addi %scan3A_314, %scan3A_325 : i32
      %mul3A_327 = arith.constant 16 : i32
      %mul3A_328 = arith.muli %scan3A_326, %mul3A_327 : i32
      %get3A_329 = arith.index_cast %mul3A_328 : i32 to index
      %get3A_330 = tpu.vector_load %arg8[%get3A_329] {strides = array<i32>} : memref<2048xi32, #tpu.memory_space<vmem>>, vector<16xi32>,
      %shift_right_logical3A_331 = vector.broadcast %scan3A_229 : i32 to vector<16xi32>
      %shift_right_logical3A_332 = arith.shrui %get3A_330, %shift_right_logical3A_331 : vector<16xi32>
      %and3A_333 = arith.constant 31 : i32
      %and3A_334 = vector.broadcast %and3A_333 : i32 to vector<16xi32>
      %and3A_335 = arith.andi %shift_right_logical3A_332, %and3A_334 : vector<16xi32>
      %broadcast_in_dim3A_336 = arith.constant true
      %broadcast_in_dim3A_337 = vector.broadcast %broadcast_in_dim3A_336 : i1 to vector<16xi1>
      %unique3A_338, %unique3A_339 = tpu.scan_count mask(%broadcast_in_dim3A_337 : vector<16xi1>) value(%and3A_335 : vector<16xi32>) : vector<16xi1>, vector<16xi32>
      tpu.vector_store_idx %arg10[%and3A_335], %unique3A_339 masked %unique3A_338 {add = true} : memref<32xi32, #tpu.memory_space<vmem>>[vector<16xi32>], vector<16xi32>, vector<16xi1>
    }
    %scan3A_234 = arith.constant 128 : i32
    %get3A_235 = arith.constant 0 : index
    %get3A_236 = tpu.vector_load %arg10[%get3A_235] {strides = array<i32>} : memref<32xi32, #tpu.memory_space<vmem>>, vector<16xi32>,
    %get3A_237 = arith.constant 16 : index
    %get3A_238 = tpu.vector_load %arg10[%get3A_237] {strides = array<i32>} : memref<32xi32, #tpu.memory_space<vmem>>, vector<16xi32>,
    %broadcast_in_dim3A_239 = arith.constant true
    %broadcast_in_dim3A_240 = vector.broadcast %broadcast_in_dim3A_239 : i1 to vector<16xi1>
    %masked_cumsum3A_241 = tpu.scan <sum>, %get3A_236 masked %broadcast_in_dim3A_240 : vector<16xi32>, vector<16xi1> -> vector<16xi32>
    %sub3A_242 = arith.subi %masked_cumsum3A_241, %get3A_236 : vector<16xi32>
    %broadcast_in_dim3A_243 = arith.constant true
    %broadcast_in_dim3A_244 = vector.broadcast %broadcast_in_dim3A_243 : i1 to vector<16xi1>
    %masked_cumsum3A_245 = tpu.scan <sum>, %get3A_238 masked %broadcast_in_dim3A_244 : vector<16xi32>, vector<16xi1> -> vector<16xi32>
    %sub3A_246 = arith.subi %masked_cumsum3A_245, %get3A_238 : vector<16xi32>
    %reduce_sum3A_247 = arith.constant true
    %reduce_sum3A_248 = vector.broadcast %reduce_sum3A_247 : i1 to vector<16xi1>
    %reduce_sum3A_249 = tpu.scan <sum>, %get3A_236 masked %reduce_sum3A_248 : vector<16xi32>, vector<16xi1> -> vector<16xi32>
    %reduce_sum3A_250 = vector.extract %reduce_sum3A_249[15] : i32 from vector<16xi32>
    %add3A_251 = vector.broadcast %reduce_sum3A_250 : i32 to vector<16xi32>
    %add3A_252 = arith.addi %sub3A_246, %add3A_251 : vector<16xi32>
    %swap3A_253 = arith.constant 0 : index
    %swap3A_254 = tpu.vector_load %arg10[%swap3A_253] {strides = array<i32>} : memref<32xi32, #tpu.memory_space<vmem>>, vector<16xi32>,
    tpu.vector_store %arg10[%swap3A_253], %sub3A_242 {strides = array<i32>} : memref<32xi32, #tpu.memory_space<vmem>>, vector<16xi32>,
    %swap3A_255 = arith.constant 16 : index
    %swap3A_256 = tpu.vector_load %arg10[%swap3A_255] {strides = array<i32>} : memref<32xi32, #tpu.memory_space<vmem>>, vector<16xi32>,
    tpu.vector_store %arg10[%swap3A_255], %add3A_252 {strides = array<i32>} : memref<32xi32, #tpu.memory_space<vmem>>, vector<16xi32>,
    %scan3A_257 = arith.constant 0 : i32
    %scan3A_258 = arith.constant 25 : i32
    %scan3A_259 = arith.constant 0 : i32
    %scan3A_260 = arith.constant 128 : i32
    %scan3A_261 = arith.addi %scan3A_259, %scan3A_260 : i32
    %scan3A_262 = arith.constant 2 : i32
    scf.for %scan3A_314 = %scan3A_259 to %scan3A_261 step %scan3A_262  : i32 {
      %mul3A_315 = arith.constant 16 : i32
      %mul3A_316 = arith.muli %scan3A_314, %mul3A_315 : i32
      %get3A_317 = arith.index_cast %mul3A_316 : i32 to index
      %get3A_318 = tpu.vector_load %arg8[%get3A_317] {strides = array<i32>} : memref<2048xi32, #tpu.memory_space<vmem>>, vector<16xi32>,
      %mul3A_319 = arith.constant 16 : i32
      %mul3A_320 = arith.muli %scan3A_314, %mul3A_319 : i32
      %get3A_321 = arith.index_cast %mul3A_320 : i32 to index
      %get3A_322 = tpu.vector_load %arg9[%get3A_321] {strides = array<i32>} : memref<2048xi32, #tpu.memory_space<vmem>>, vector<16xi32>,
      %shift_right_logical3A = vector.broadcast %scan3A_258 : i32 to vector<16xi32>
      %shift_right_logical3A_323 = arith.shrui %get3A_318, %shift_right_logical3A : vector<16xi32>
      %and3A = arith.constant 31 : i32
      %and3A_324 = vector.broadcast %and3A : i32 to vector<16xi32>
      %and3A_325 = arith.andi %shift_right_logical3A_323, %and3A_324 : vector<16xi32>
      %broadcast_in_dim3A_326 = arith.constant true
      %broadcast_in_dim3A_327 = vector.broadcast %broadcast_in_dim3A_326 : i1 to vector<16xi1>
      %unique3A, %unique3A_328 = tpu.scan_count mask(%broadcast_in_dim3A_327 : vector<16xi1>) value(%and3A_325 : vector<16xi32>) : vector<16xi1>, vector<16xi32>
      %gather3A = tpu.vector_load_idx %arg10[%and3A_325] : memref<32xi32, #tpu.memory_space<vmem>>[vector<16xi32>], vector<16xi32>,
      %add3A_329 = arith.addi %gather3A, %unique3A_328 : vector<16xi32>
      %sub3A_330 = arith.constant 1 : i32
      %sub3A_331 = vector.broadcast %sub3A_330 : i32 to vector<16xi32>
      %sub3A_332 = arith.subi %add3A_329, %sub3A_331 : vector<16xi32>
      tpu.vector_store_idx %arg6[%sub3A_332], %get3A_318 : memref<2048xi32, #tpu.memory_space<vmem>>[vector<16xi32>], vector<16xi32>,
      tpu.vector_store_idx %arg7[%sub3A_332], %get3A_322 : memref<2048xi32, #tpu.memory_space<vmem>>[vector<16xi32>], vector<16xi32>,
      %add3A_333 = arith.addi %gather3A, %unique3A_328 : vector<16xi32>
      tpu.vector_store_idx %arg10[%and3A_325], %add3A_333 masked %unique3A : memref<32xi32, #tpu.memory_space<vmem>>[vector<16xi32>], vector<16xi32>, vector<16xi1>
      %scan3A_334 = arith.constant 1 : i32
      %scan3A_335 = arith.addi %scan3A_314, %scan3A_334 : i32
      %mul3A_336 = arith.constant 16 : i32
      %mul3A_337 = arith.muli %scan3A_335, %mul3A_336 : i32
      %get3A_338 = arith.index_cast %mul3A_337 : i32 to index
      %get3A_339 = tpu.vector_load %arg8[%get3A_338] {strides = array<i32>} : memref<2048xi32, #tpu.memory_space<vmem>>, vector<16xi32>,
      %mul3A_340 = arith.constant 16 : i32
      %mul3A_341 = arith.muli %scan3A_335, %mul3A_340 : i32
      %get3A_342 = arith.index_cast %mul3A_341 : i32 to index
      %get3A_343 = tpu.vector_load %arg9[%get3A_342] {strides = array<i32>} : memref<2048xi32, #tpu.memory_space<vmem>>, vector<16xi32>,
      %shift_right_logical3A_344 = vector.broadcast %scan3A_258 : i32 to vector<16xi32>
      %shift_right_logical3A_345 = arith.shrui %get3A_339, %shift_right_logical3A_344 : vector<16xi32>
      %and3A_346 = arith.constant 31 : i32
      %and3A_347 = vector.broadcast %and3A_346 : i32 to vector<16xi32>
      %and3A_348 = arith.andi %shift_right_logical3A_345, %and3A_347 : vector<16xi32>
      %broadcast_in_dim3A_349 = arith.constant true
      %broadcast_in_dim3A_350 = vector.broadcast %broadcast_in_dim3A_349 : i1 to vector<16xi1>
      %unique3A_351, %unique3A_352 = tpu.scan_count mask(%broadcast_in_dim3A_350 : vector<16xi1>) value(%and3A_348 : vector<16xi32>) : vector<16xi1>, vector<16xi32>
      %gather3A_353 = tpu.vector_load_idx %arg10[%and3A_348] : memref<32xi32, #tpu.memory_space<vmem>>[vector<16xi32>], vector<16xi32>,
      %add3A_354 = arith.addi %gather3A_353, %unique3A_352 : vector<16xi32>
      %sub3A_355 = arith.constant 1 : i32
      %sub3A_356 = vector.broadcast %sub3A_355 : i32 to vector<16xi32>
      %sub3A_357 = arith.subi %add3A_354, %sub3A_356 : vector<16xi32>
      tpu.vector_store_idx %arg6[%sub3A_357], %get3A_339 : memref<2048xi32, #tpu.memory_space<vmem>>[vector<16xi32>], vector<16xi32>,
      tpu.vector_store_idx %arg7[%sub3A_357], %get3A_343 : memref<2048xi32, #tpu.memory_space<vmem>>[vector<16xi32>], vector<16xi32>,
      %add3A_358 = arith.addi %gather3A_353, %unique3A_352 : vector<16xi32>
      tpu.vector_store_idx %arg10[%and3A_348], %add3A_358 masked %unique3A_351 : memref<32xi32, #tpu.memory_space<vmem>>[vector<16xi32>], vector<16xi32>, vector<16xi1>
    }
    %scan3A_263 = arith.constant 128 : i32
    %broadcast_in_dim3A_264 = arith.constant 0 : i32
    %broadcast_in_dim3A_265 = vector.broadcast %broadcast_in_dim3A_264 : i32 to vector<16xi32>
    %swap3A_266 = arith.constant 0 : index
    %swap3A_267 = tpu.vector_load %arg10[%swap3A_266] {strides = array<i32>} : memref<32xi32, #tpu.memory_space<vmem>>, vector<16xi32>,
    tpu.vector_store %arg10[%swap3A_266], %broadcast_in_dim3A_265 {strides = array<i32>} : memref<32xi32, #tpu.memory_space<vmem>>, vector<16xi32>,
    %broadcast_in_dim3A_268 = arith.constant 0 : i32
    %broadcast_in_dim3A_269 = vector.broadcast %broadcast_in_dim3A_268 : i32 to vector<16xi32>
    %swap3A_270 = arith.constant 16 : index
    %swap3A_271 = tpu.vector_load %arg10[%swap3A_270] {strides = array<i32>} : memref<32xi32, #tpu.memory_space<vmem>>, vector<16xi32>,
    tpu.vector_store %arg10[%swap3A_270], %broadcast_in_dim3A_269 {strides = array<i32>} : memref<32xi32, #tpu.memory_space<vmem>>, vector<16xi32>,
    %scan3A_272 = arith.constant 0 : i32
    %scan3A_273 = arith.constant 30 : i32
    %scan3A_274 = arith.constant 0 : i32
    %scan3A_275 = arith.constant 128 : i32
    %scan3A_276 = arith.addi %scan3A_274, %scan3A_275 : i32
    %scan3A_277 = arith.constant 2 : i32
    scf.for %scan3A_314 = %scan3A_274 to %scan3A_276 step %scan3A_277  : i32 {
      %mul3A_315 = arith.constant 16 : i32
      %mul3A_316 = arith.muli %scan3A_314, %mul3A_315 : i32
      %get3A_317 = arith.index_cast %mul3A_316 : i32 to index
      %get3A_318 = tpu.vector_load %arg6[%get3A_317] {strides = array<i32>} : memref<2048xi32, #tpu.memory_space<vmem>>, vector<16xi32>,
      %shift_right_logical3A = vector.broadcast %scan3A_273 : i32 to vector<16xi32>
      %shift_right_logical3A_319 = arith.shrui %get3A_318, %shift_right_logical3A : vector<16xi32>
      %and3A = arith.constant 31 : i32
      %and3A_320 = vector.broadcast %and3A : i32 to vector<16xi32>
      %and3A_321 = arith.andi %shift_right_logical3A_319, %and3A_320 : vector<16xi32>
      %broadcast_in_dim3A_322 = arith.constant true
      %broadcast_in_dim3A_323 = vector.broadcast %broadcast_in_dim3A_322 : i1 to vector<16xi1>
      %unique3A, %unique3A_324 = tpu.scan_count mask(%broadcast_in_dim3A_323 : vector<16xi1>) value(%and3A_321 : vector<16xi32>) : vector<16xi1>, vector<16xi32>
      tpu.vector_store_idx %arg10[%and3A_321], %unique3A_324 masked %unique3A {add = true} : memref<32xi32, #tpu.memory_space<vmem>>[vector<16xi32>], vector<16xi32>, vector<16xi1>
      %scan3A_325 = arith.constant 1 : i32
      %scan3A_326 = arith.addi %scan3A_314, %scan3A_325 : i32
      %mul3A_327 = arith.constant 16 : i32
      %mul3A_328 = arith.muli %scan3A_326, %mul3A_327 : i32
      %get3A_329 = arith.index_cast %mul3A_328 : i32 to index
      %get3A_330 = tpu.vector_load %arg6[%get3A_329] {strides = array<i32>} : memref<2048xi32, #tpu.memory_space<vmem>>, vector<16xi32>,
      %shift_right_logical3A_331 = vector.broadcast %scan3A_273 : i32 to vector<16xi32>
      %shift_right_logical3A_332 = arith.shrui %get3A_330, %shift_right_logical3A_331 : vector<16xi32>
      %and3A_333 = arith.constant 31 : i32
      %and3A_334 = vector.broadcast %and3A_333 : i32 to vector<16xi32>
      %and3A_335 = arith.andi %shift_right_logical3A_332, %and3A_334 : vector<16xi32>
      %broadcast_in_dim3A_336 = arith.constant true
      %broadcast_in_dim3A_337 = vector.broadcast %broadcast_in_dim3A_336 : i1 to vector<16xi1>
      %unique3A_338, %unique3A_339 = tpu.scan_count mask(%broadcast_in_dim3A_337 : vector<16xi1>) value(%and3A_335 : vector<16xi32>) : vector<16xi1>, vector<16xi32>
      tpu.vector_store_idx %arg10[%and3A_335], %unique3A_339 masked %unique3A_338 {add = true} : memref<32xi32, #tpu.memory_space<vmem>>[vector<16xi32>], vector<16xi32>, vector<16xi1>
    }
    %scan3A_278 = arith.constant 128 : i32
    %get3A_279 = arith.constant 0 : index
    %get3A_280 = tpu.vector_load %arg10[%get3A_279] {strides = array<i32>} : memref<32xi32, #tpu.memory_space<vmem>>, vector<16xi32>,
    %get3A_281 = arith.constant 16 : index
    %get3A_282 = tpu.vector_load %arg10[%get3A_281] {strides = array<i32>} : memref<32xi32, #tpu.memory_space<vmem>>, vector<16xi32>,
    %broadcast_in_dim3A_283 = arith.constant true
    %broadcast_in_dim3A_284 = vector.broadcast %broadcast_in_dim3A_283 : i1 to vector<16xi1>
    %masked_cumsum3A_285 = tpu.scan <sum>, %get3A_280 masked %broadcast_in_dim3A_284 : vector<16xi32>, vector<16xi1> -> vector<16xi32>
    %sub3A_286 = arith.subi %masked_cumsum3A_285, %get3A_280 : vector<16xi32>
    %broadcast_in_dim3A_287 = arith.constant true
    %broadcast_in_dim3A_288 = vector.broadcast %broadcast_in_dim3A_287 : i1 to vector<16xi1>
    %masked_cumsum3A_289 = tpu.scan <sum>, %get3A_282 masked %broadcast_in_dim3A_288 : vector<16xi32>, vector<16xi1> -> vector<16xi32>
    %sub3A_290 = arith.subi %masked_cumsum3A_289, %get3A_282 : vector<16xi32>
    %reduce_sum3A_291 = arith.constant true
    %reduce_sum3A_292 = vector.broadcast %reduce_sum3A_291 : i1 to vector<16xi1>
    %reduce_sum3A_293 = tpu.scan <sum>, %get3A_280 masked %reduce_sum3A_292 : vector<16xi32>, vector<16xi1> -> vector<16xi32>
    %reduce_sum3A_294 = vector.extract %reduce_sum3A_293[15] : i32 from vector<16xi32>
    %add3A_295 = vector.broadcast %reduce_sum3A_294 : i32 to vector<16xi32>
    %add3A_296 = arith.addi %sub3A_290, %add3A_295 : vector<16xi32>
    %swap3A_297 = arith.constant 0 : index
    %swap3A_298 = tpu.vector_load %arg10[%swap3A_297] {strides = array<i32>} : memref<32xi32, #tpu.memory_space<vmem>>, vector<16xi32>,
    tpu.vector_store %arg10[%swap3A_297], %sub3A_286 {strides = array<i32>} : memref<32xi32, #tpu.memory_space<vmem>>, vector<16xi32>,
    %swap3A_299 = arith.constant 16 : index
    %swap3A_300 = tpu.vector_load %arg10[%swap3A_299] {strides = array<i32>} : memref<32xi32, #tpu.memory_space<vmem>>, vector<16xi32>,
    tpu.vector_store %arg10[%swap3A_299], %add3A_296 {strides = array<i32>} : memref<32xi32, #tpu.memory_space<vmem>>, vector<16xi32>,
    %scan3A_301 = arith.constant 0 : i32
    %scan3A_302 = arith.constant 30 : i32
    %scan3A_303 = arith.constant 0 : i32
    %scan3A_304 = arith.constant 128 : i32
    %scan3A_305 = arith.addi %scan3A_303, %scan3A_304 : i32
    %scan3A_306 = arith.constant 2 : i32
    scf.for %scan3A_314 = %scan3A_303 to %scan3A_305 step %scan3A_306  : i32 {
      %mul3A_315 = arith.constant 16 : i32
      %mul3A_316 = arith.muli %scan3A_314, %mul3A_315 : i32
      %get3A_317 = arith.index_cast %mul3A_316 : i32 to index
      %get3A_318 = tpu.vector_load %arg6[%get3A_317] {strides = array<i32>} : memref<2048xi32, #tpu.memory_space<vmem>>, vector<16xi32>,
      %mul3A_319 = arith.constant 16 : i32
      %mul3A_320 = arith.muli %scan3A_314, %mul3A_319 : i32
      %get3A_321 = arith.index_cast %mul3A_320 : i32 to index
      %get3A_322 = tpu.vector_load %arg7[%get3A_321] {strides = array<i32>} : memref<2048xi32, #tpu.memory_space<vmem>>, vector<16xi32>,
      %shift_right_logical3A = vector.broadcast %scan3A_302 : i32 to vector<16xi32>
      %shift_right_logical3A_323 = arith.shrui %get3A_318, %shift_right_logical3A : vector<16xi32>
      %and3A = arith.constant 31 : i32
      %and3A_324 = vector.broadcast %and3A : i32 to vector<16xi32>
      %and3A_325 = arith.andi %shift_right_logical3A_323, %and3A_324 : vector<16xi32>
      %broadcast_in_dim3A_326 = arith.constant true
      %broadcast_in_dim3A_327 = vector.broadcast %broadcast_in_dim3A_326 : i1 to vector<16xi1>
      %unique3A, %unique3A_328 = tpu.scan_count mask(%broadcast_in_dim3A_327 : vector<16xi1>) value(%and3A_325 : vector<16xi32>) : vector<16xi1>, vector<16xi32>
      %gather3A = tpu.vector_load_idx %arg10[%and3A_325] : memref<32xi32, #tpu.memory_space<vmem>>[vector<16xi32>], vector<16xi32>,
      %add3A_329 = arith.addi %gather3A, %unique3A_328 : vector<16xi32>
      %sub3A_330 = arith.constant 1 : i32
      %sub3A_331 = vector.broadcast %sub3A_330 : i32 to vector<16xi32>
      %sub3A_332 = arith.subi %add3A_329, %sub3A_331 : vector<16xi32>
      tpu.vector_store_idx %arg8[%sub3A_332], %get3A_318 : memref<2048xi32, #tpu.memory_space<vmem>>[vector<16xi32>], vector<16xi32>,
      tpu.vector_store_idx %arg9[%sub3A_332], %get3A_322 : memref<2048xi32, #tpu.memory_space<vmem>>[vector<16xi32>], vector<16xi32>,
      %add3A_333 = arith.addi %gather3A, %unique3A_328 : vector<16xi32>
      tpu.vector_store_idx %arg10[%and3A_325], %add3A_333 masked %unique3A : memref<32xi32, #tpu.memory_space<vmem>>[vector<16xi32>], vector<16xi32>, vector<16xi1>
      %scan3A_334 = arith.constant 1 : i32
      %scan3A_335 = arith.addi %scan3A_314, %scan3A_334 : i32
      %mul3A_336 = arith.constant 16 : i32
      %mul3A_337 = arith.muli %scan3A_335, %mul3A_336 : i32
      %get3A_338 = arith.index_cast %mul3A_337 : i32 to index
      %get3A_339 = tpu.vector_load %arg6[%get3A_338] {strides = array<i32>} : memref<2048xi32, #tpu.memory_space<vmem>>, vector<16xi32>,
      %mul3A_340 = arith.constant 16 : i32
      %mul3A_341 = arith.muli %scan3A_335, %mul3A_340 : i32
      %get3A_342 = arith.index_cast %mul3A_341 : i32 to index
      %get3A_343 = tpu.vector_load %arg7[%get3A_342] {strides = array<i32>} : memref<2048xi32, #tpu.memory_space<vmem>>, vector<16xi32>,
      %shift_right_logical3A_344 = vector.broadcast %scan3A_302 : i32 to vector<16xi32>
      %shift_right_logical3A_345 = arith.shrui %get3A_339, %shift_right_logical3A_344 : vector<16xi32>
      %and3A_346 = arith.constant 31 : i32
      %and3A_347 = vector.broadcast %and3A_346 : i32 to vector<16xi32>
      %and3A_348 = arith.andi %shift_right_logical3A_345, %and3A_347 : vector<16xi32>
      %broadcast_in_dim3A_349 = arith.constant true
      %broadcast_in_dim3A_350 = vector.broadcast %broadcast_in_dim3A_349 : i1 to vector<16xi1>
      %unique3A_351, %unique3A_352 = tpu.scan_count mask(%broadcast_in_dim3A_350 : vector<16xi1>) value(%and3A_348 : vector<16xi32>) : vector<16xi1>, vector<16xi32>
      %gather3A_353 = tpu.vector_load_idx %arg10[%and3A_348] : memref<32xi32, #tpu.memory_space<vmem>>[vector<16xi32>], vector<16xi32>,
      %add3A_354 = arith.addi %gather3A_353, %unique3A_352 : vector<16xi32>
      %sub3A_355 = arith.constant 1 : i32
      %sub3A_356 = vector.broadcast %sub3A_355 : i32 to vector<16xi32>
      %sub3A_357 = arith.subi %add3A_354, %sub3A_356 : vector<16xi32>
      tpu.vector_store_idx %arg8[%sub3A_357], %get3A_339 : memref<2048xi32, #tpu.memory_space<vmem>>[vector<16xi32>], vector<16xi32>,
      tpu.vector_store_idx %arg9[%sub3A_357], %get3A_343 : memref<2048xi32, #tpu.memory_space<vmem>>[vector<16xi32>], vector<16xi32>,
      %add3A_358 = arith.addi %gather3A_353, %unique3A_352 : vector<16xi32>
      tpu.vector_store_idx %arg10[%and3A_348], %add3A_358 masked %unique3A_351 : memref<32xi32, #tpu.memory_space<vmem>>[vector<16xi32>], vector<16xi32>, vector<16xi1>
    }
    %scan3A_307 = arith.constant 128 : i32
    %scan3A_308 = arith.constant 0 : i32
    %scan3A_309 = arith.constant 0 : i32
    %scan3A_310 = arith.constant 16 : i32
    %scan3A_311 = arith.addi %scan3A_309, %scan3A_310 : i32
    %scan3A_312 = arith.constant 2 : i32
    scf.for %scan3A_314 = %scan3A_309 to %scan3A_311 step %scan3A_312  : i32 {
      %mul3A_315 = arith.constant 16 : i32
      %mul3A_316 = arith.muli %scan3A_314, %mul3A_315 : i32
      %get3A_317 = arith.index_cast %mul3A_316 : i32 to index
      %get3A_318 = tpu.vector_load %arg8[%get3A_317] {strides = array<i32>} : memref<2048xi32, #tpu.memory_space<vmem>>, vector<16xi32>,
      %not3A = arith.constant dense<-1> : vector<16xi32>
      %not3A_319 = arith.xori %get3A_318, %not3A : vector<16xi32>
      %bitcast_convert_type3A = tpu.bitcast %not3A_319 : vector<16xi32> -> vector<16xf32>
      %mul3A_320 = arith.constant 16 : i32
      %mul3A_321 = arith.muli %scan3A_314, %mul3A_320 : i32
      %swap3A_322 = arith.index_cast %mul3A_321 : i32 to index
      %swap3A_323 = tpu.vector_load %arg11[%swap3A_322] {strides = array<i32>} : memref<256xf32, #tpu.memory_space<vmem>>, vector<16xf32>,
      tpu.vector_store %arg11[%swap3A_322], %bitcast_convert_type3A {strides = array<i32>} : memref<256xf32, #tpu.memory_space<vmem>>, vector<16xf32>,
      %mul3A_324 = arith.constant 16 : i32
      %mul3A_325 = arith.muli %scan3A_314, %mul3A_324 : i32
      %get3A_326 = arith.index_cast %mul3A_325 : i32 to index
      %get3A_327 = tpu.vector_load %arg9[%get3A_326] {strides = array<i32>} : memref<2048xi32, #tpu.memory_space<vmem>>, vector<16xi32>,
      %mul3A_328 = arith.constant 16 : i32
      %mul3A_329 = arith.muli %scan3A_314, %mul3A_328 : i32
      %swap3A_330 = arith.index_cast %mul3A_329 : i32 to index
      %swap3A_331 = tpu.vector_load %arg12[%swap3A_330] {strides = array<i32>} : memref<256xi32, #tpu.memory_space<vmem>>, vector<16xi32>,
      tpu.vector_store %arg12[%swap3A_330], %get3A_327 {strides = array<i32>} : memref<256xi32, #tpu.memory_space<vmem>>, vector<16xi32>,
      %scan3A_332 = arith.constant 1 : i32
      %scan3A_333 = arith.addi %scan3A_314, %scan3A_332 : i32
      %mul3A_334 = arith.constant 16 : i32
      %mul3A_335 = arith.muli %scan3A_333, %mul3A_334 : i32
      %get3A_336 = arith.index_cast %mul3A_335 : i32 to index
      %get3A_337 = tpu.vector_load %arg8[%get3A_336] {strides = array<i32>} : memref<2048xi32, #tpu.memory_space<vmem>>, vector<16xi32>,
      %not3A_338 = arith.constant dense<-1> : vector<16xi32>
      %not3A_339 = arith.xori %get3A_337, %not3A_338 : vector<16xi32>
      %bitcast_convert_type3A_340 = tpu.bitcast %not3A_339 : vector<16xi32> -> vector<16xf32>
      %mul3A_341 = arith.constant 16 : i32
      %mul3A_342 = arith.muli %scan3A_333, %mul3A_341 : i32
      %swap3A_343 = arith.index_cast %mul3A_342 : i32 to index
      %swap3A_344 = tpu.vector_load %arg11[%swap3A_343] {strides = array<i32>} : memref<256xf32, #tpu.memory_space<vmem>>, vector<16xf32>,
      tpu.vector_store %arg11[%swap3A_343], %bitcast_convert_type3A_340 {strides = array<i32>} : memref<256xf32, #tpu.memory_space<vmem>>, vector<16xf32>,
      %mul3A_345 = arith.constant 16 : i32
      %mul3A_346 = arith.muli %scan3A_333, %mul3A_345 : i32
      %get3A_347 = arith.index_cast %mul3A_346 : i32 to index
      %get3A_348 = tpu.vector_load %arg9[%get3A_347] {strides = array<i32>} : memref<2048xi32, #tpu.memory_space<vmem>>, vector<16xi32>,
      %mul3A_349 = arith.constant 16 : i32
      %mul3A_350 = arith.muli %scan3A_333, %mul3A_349 : i32
      %swap3A_351 = arith.index_cast %mul3A_350 : i32 to index
      %swap3A_352 = tpu.vector_load %arg12[%swap3A_351] {strides = array<i32>} : memref<256xi32, #tpu.memory_space<vmem>>, vector<16xi32>,
      tpu.vector_store %arg12[%swap3A_351], %get3A_348 {strides = array<i32>} : memref<256xi32, #tpu.memory_space<vmem>>, vector<16xi32>,
    }
    %scan3A_313 = arith.constant 16 : i32
    "tpu.region"() ({
      %run_scoped3A = tpu.sem_alloc : memref<!tpu.dma_semaphore, #tpu.memory_space<semaphore_mem>>
      %dma_start3A = arith.constant 0 : i32
      %dma_start3A_314 = tpu.memref_slice %arg3[%add3A, %dma_start3A] : memref<32x256xf32, #tpu.memory_space<hbm>> -> memref<1x256xf32, #tpu.memory_space<hbm>>
      %dma_start3A_315 = tpu.memref_squeeze %dma_start3A_314 : memref<1x256xf32, #tpu.memory_space<hbm>> -> memref<256xf32, #tpu.memory_space<hbm>>
      %dma_start3A_316 = arith.constant 0 : i32
      %dma_start3A_317 = tpu.memref_slice %arg3[%add3A, %dma_start3A_316] : memref<32x256xf32, #tpu.memory_space<hbm>> -> memref<1x256xf32, #tpu.memory_space<hbm>>
      %dma_start3A_318 = tpu.memref_squeeze %dma_start3A_317 : memref<1x256xf32, #tpu.memory_space<hbm>> -> memref<256xf32, #tpu.memory_space<hbm>>
      tpu.enqueue_dma source(%arg11 : memref<256xf32, #tpu.memory_space<vmem>>) target(%dma_start3A_318 : memref<256xf32, #tpu.memory_space<hbm>>) target_semaphore(%run_scoped3A : memref<!tpu.dma_semaphore, #tpu.memory_space<semaphore_mem>>)
      %dma_wait3A = arith.constant 0 : i32
      %dma_wait3A_319 = tpu.memref_slice %arg3[%add3A, %dma_wait3A] : memref<32x256xf32, #tpu.memory_space<hbm>> -> memref<1x256xf32, #tpu.memory_space<hbm>>
      %dma_wait3A_320 = tpu.memref_squeeze %dma_wait3A_319 : memref<1x256xf32, #tpu.memory_space<hbm>> -> memref<256xf32, #tpu.memory_space<hbm>>
      %dma_wait3A_321 = arith.constant 0 : i32
      %dma_wait3A_322 = tpu.memref_slice %arg3[%add3A, %dma_wait3A_321] : memref<32x256xf32, #tpu.memory_space<hbm>> -> memref<1x256xf32, #tpu.memory_space<hbm>>
      %dma_wait3A_323 = tpu.memref_squeeze %dma_wait3A_322 : memref<1x256xf32, #tpu.memory_space<hbm>> -> memref<256xf32, #tpu.memory_space<hbm>>
      tpu.wait_dma2 semaphore(%run_scoped3A : memref<!tpu.dma_semaphore, #tpu.memory_space<semaphore_mem>>) src(%arg11 : memref<256xf32, #tpu.memory_space<vmem>>) dst(%dma_wait3A_323 : memref<256xf32, #tpu.memory_space<hbm>>)
      tpu.yield
    }) : () -> ()
    "tpu.region"() ({
      %run_scoped3A = tpu.sem_alloc : memref<!tpu.dma_semaphore, #tpu.memory_space<semaphore_mem>>
      %dma_start3A = arith.constant 0 : i32
      %dma_start3A_314 = tpu.memref_slice %arg4[%add3A, %dma_start3A] : memref<32x256xi32, #tpu.memory_space<hbm>> -> memref<1x256xi32, #tpu.memory_space<hbm>>
      %dma_start3A_315 = tpu.memref_squeeze %dma_start3A_314 : memref<1x256xi32, #tpu.memory_space<hbm>> -> memref<256xi32, #tpu.memory_space<hbm>>
      %dma_start3A_316 = arith.constant 0 : i32
      %dma_start3A_317 = tpu.memref_slice %arg4[%add3A, %dma_start3A_316] : memref<32x256xi32, #tpu.memory_space<hbm>> -> memref<1x256xi32, #tpu.memory_space<hbm>>
      %dma_start3A_318 = tpu.memref_squeeze %dma_start3A_317 : memref<1x256xi32, #tpu.memory_space<hbm>> -> memref<256xi32, #tpu.memory_space<hbm>>
      tpu.enqueue_dma source(%arg12 : memref<256xi32, #tpu.memory_space<vmem>>) target(%dma_start3A_318 : memref<256xi32, #tpu.memory_space<hbm>>) target_semaphore(%run_scoped3A : memref<!tpu.dma_semaphore, #tpu.memory_space<semaphore_mem>>)
      %dma_wait3A = arith.constant 0 : i32
      %dma_wait3A_319 = tpu.memref_slice %arg4[%add3A, %dma_wait3A] : memref<32x256xi32, #tpu.memory_space<hbm>> -> memref<1x256xi32, #tpu.memory_space<hbm>>
      %dma_wait3A_320 = tpu.memref_squeeze %dma_wait3A_319 : memref<1x256xi32, #tpu.memory_space<hbm>> -> memref<256xi32, #tpu.memory_space<hbm>>
      %dma_wait3A_321 = arith.constant 0 : i32
      %dma_wait3A_322 = tpu.memref_slice %arg4[%add3A, %dma_wait3A_321] : memref<32x256xi32, #tpu.memory_space<hbm>> -> memref<1x256xi32, #tpu.memory_space<hbm>>
      %dma_wait3A_323 = tpu.memref_squeeze %dma_wait3A_322 : memref<1x256xi32, #tpu.memory_space<hbm>> -> memref<256xi32, #tpu.memory_space<hbm>>
      tpu.wait_dma2 semaphore(%run_scoped3A : memref<!tpu.dma_semaphore, #tpu.memory_space<semaphore_mem>>) src(%arg12 : memref<256xi32, #tpu.memory_space<vmem>>) dst(%dma_wait3A_323 : memref<256xi32, #tpu.memory_space<hbm>>)
      tpu.yield
    }) : () -> ()
    return
  }
}

module attributes {stable_mosaic.version = 14 : i64} {
  func.func @_logits_body(%arg0: i32, %arg1: i32, %arg2: memref<1x1x1024xf32, #tpu.memory_space<vmem>>, %arg3: memref<1x2048x1024xf32, #tpu.memory_space<vmem>>, %arg4: memref<1x2048x1xf32, #tpu.memory_space<vmem>>) attributes {dimension_semantics = [#tpu.dimension_semantics<arbitrary>, #tpu.dimension_semantics<arbitrary>], iteration_bounds = array<i64: 32, 1>, scalar_prefetch = 0 : i64, scratch_operands = 0 : i64, tpu.core_type = #tpu.core_type<tc>, window_params = [{transform_indices = @transform_0, window_bounds = array<i64: 1, 1, 1024>}, {transform_indices = @transform_1, window_bounds = array<i64: 1, 2048, 1024>}, {transform_indices = @transform_2, window_bounds = array<i64: 1, 2048, 1>}]} {
    %get3A = arith.constant 0 : index
    %get3A_0 = arith.constant 0 : index
    %get3A_1 = arith.constant 0 : index
    %get3A_2 = vector.load %arg3[%get3A, %get3A_0, %get3A_1] : memref<1x2048x1024xf32, #tpu.memory_space<vmem>>, vector<1x2048x1024xf32>
    %get3A_3 = vector.shape_cast %get3A_2 : vector<1x2048x1024xf32> to vector<2048x1024xf32>
    %get3A_4 = arith.constant 0 : index
    %get3A_5 = arith.constant 0 : index
    %get3A_6 = arith.constant 0 : index
    %get3A_7 = vector.load %arg2[%get3A_4, %get3A_5, %get3A_6] : memref<1x1x1024xf32, #tpu.memory_space<vmem>>, vector<1x1x1024xf32>
    %get3A_8 = vector.shape_cast %get3A_7 : vector<1x1x1024xf32> to vector<1x1024xf32>
    %reshape3A = vector.shape_cast %get3A_8 : vector<1x1024xf32> to vector<1024x1xf32>
    %dot_general3A = arith.constant dense<0.000000e+00> : vector<2048x1xf32>
    %dot_general3A_9 = tpu.matmul %get3A_3, %reshape3A, %dot_general3A {dimension_numbers = #tpu.dot_dimension_numbers<[1], [0], [0], [1], [0, 0, 1, 1], [], []>, transpose_lhs_hint = false} : vector<2048x1024xf32>, vector<1024x1xf32>, vector<2048x1xf32> -> vector<2048x1xf32>
    %reshape3A_10 = vector.shape_cast %dot_general3A_9 : vector<2048x1xf32> to vector<1x2048x1xf32>
    %swap3A = arith.constant 0 : index
    %swap3A_11 = arith.constant 0 : index
    %swap3A_12 = arith.constant 0 : index
    %swap3A_13 = vector.load %arg4[%swap3A, %swap3A_11, %swap3A_12] : memref<1x2048x1xf32, #tpu.memory_space<vmem>>, vector<1x2048x1xf32>
    tpu.vector_store %arg4[%swap3A, %swap3A_11, %swap3A_12], %reshape3A_10 {strides = array<i32>} : memref<1x2048x1xf32, #tpu.memory_space<vmem>>, vector<1x2048x1xf32>,
    return
  }
  func.func @transform_0(%arg0: i32, %arg1: i32) -> (i32, i32, i32) {
    %c0_i32 = arith.constant 0 : i32
    %c0_i32_0 = arith.constant 0 : i32
    %c0_i32_1 = arith.constant 0 : i32
    return %arg0, %c0_i32, %c0_i32_0 : i32, i32, i32
  }
  func.func @transform_1(%arg0: i32, %arg1: i32) -> (i32, i32, i32) {
    %c0_i32 = arith.constant 0 : i32
    %c0_i32_0 = arith.constant 0 : i32
    return %arg0, %arg1, %c0_i32 : i32, i32, i32
  }
  func.func @transform_2(%arg0: i32, %arg1: i32) -> (i32, i32, i32) {
    %c0_i32 = arith.constant 0 : i32
    %c0_i32_0 = arith.constant 0 : i32
    return %arg0, %arg1, %c0_i32 : i32, i32, i32
  }
}

module attributes {stable_mosaic.version = 14 : i64} {
  func.func @_right_body(%arg0: i32, %arg1: memref<1x1x1024xf32, #tpu.memory_space<vmem>>, %arg2: memref<1x1x1024xf32, #tpu.memory_space<vmem>>, %arg3: memref<1x2048x1xf32, #tpu.memory_space<vmem>>) attributes {dimension_semantics = [#tpu.dimension_semantics<arbitrary>], iteration_bounds = array<i64: 32>, scalar_prefetch = 0 : i64, scratch_operands = 0 : i64, tpu.core_type = #tpu.core_type<tc>, window_params = [{transform_indices = @transform_0, window_bounds = array<i64: 1, 1, 1024>}, {transform_indices = @transform_1, window_bounds = array<i64: 1, 1, 1024>}, {transform_indices = @transform_2, window_bounds = array<i64: 1, 2048, 1>}]} {
    %get3A = arith.constant 0 : index
    %get3A_0 = arith.constant 0 : index
    %get3A_1 = arith.constant 0 : index
    %get3A_2 = vector.load %arg2[%get3A, %get3A_0, %get3A_1] : memref<1x1x1024xf32, #tpu.memory_space<vmem>>, vector<1x1x1024xf32>
    %get3A_3 = vector.shape_cast %get3A_2 : vector<1x1x1024xf32> to vector<1x1024xf32>
    %broadcast_in_dim3A = vector.shape_cast %get3A_3 : vector<1x1024xf32> to vector<1x1024xf32>
    %broadcast_in_dim3A_4 = vector.broadcast %broadcast_in_dim3A : vector<1x1024xf32> to vector<2048x1024xf32>
    %get3A_5 = arith.constant 0 : index
    %get3A_6 = arith.constant 0 : index
    %get3A_7 = arith.constant 0 : index
    %get3A_8 = vector.load %arg1[%get3A_5, %get3A_6, %get3A_7] : memref<1x1x1024xf32, #tpu.memory_space<vmem>>, vector<1x1x1024xf32>
    %get3A_9 = vector.shape_cast %get3A_8 : vector<1x1x1024xf32> to vector<1x1024xf32>
    %reshape3A = vector.shape_cast %get3A_9 : vector<1x1024xf32> to vector<1024x1xf32>
    %dot_general3A = arith.constant dense<0.000000e+00> : vector<2048x1xf32>
    %dot_general3A_10 = tpu.matmul %broadcast_in_dim3A_4, %reshape3A, %dot_general3A {dimension_numbers = #tpu.dot_dimension_numbers<[1], [0], [0], [1], [0, 0, 1, 1], [], []>, transpose_lhs_hint = false} : vector<2048x1024xf32>, vector<1024x1xf32>, vector<2048x1xf32> -> vector<2048x1xf32>
    %reshape3A_11 = vector.shape_cast %dot_general3A_10 : vector<2048x1xf32> to vector<1x2048x1xf32>
    %swap3A = arith.constant 0 : index
    %swap3A_12 = arith.constant 0 : index
    %swap3A_13 = arith.constant 0 : index
    %swap3A_14 = vector.load %arg3[%swap3A, %swap3A_12, %swap3A_13] : memref<1x2048x1xf32, #tpu.memory_space<vmem>>, vector<1x2048x1xf32>
    tpu.vector_store %arg3[%swap3A, %swap3A_12, %swap3A_13], %reshape3A_11 {strides = array<i32>} : memref<1x2048x1xf32, #tpu.memory_space<vmem>>, vector<1x2048x1xf32>,
    return
  }
  func.func @transform_0(%arg0: i32) -> (i32, i32, i32) {
    %c0_i32 = arith.constant 0 : i32
    %c0_i32_0 = arith.constant 0 : i32
    %c0_i32_1 = arith.constant 0 : i32
    return %arg0, %c0_i32, %c0_i32_0 : i32, i32, i32
  }
  func.func @transform_1(%arg0: i32) -> (i32, i32, i32) {
    %c0_i32 = arith.constant 0 : i32
    %c0_i32_0 = arith.constant 0 : i32
    %c0_i32_1 = arith.constant 0 : i32
    return %arg0, %c0_i32, %c0_i32_0 : i32, i32, i32
  }
  func.func @transform_2(%arg0: i32) -> (i32, i32, i32) {
    %c0_i32 = arith.constant 0 : i32
    %c0_i32_0 = arith.constant 0 : i32
    %c0_i32_1 = arith.constant 0 : i32
    return %arg0, %c0_i32, %c0_i32_0 : i32, i32, i32
  }
}

module attributes {stable_mosaic.version = 14 : i64} {
  func.func @_softmax_body(%arg0: memref<32x2048xf32, #tpu.memory_space<vmem>>, %arg1: memref<32x1xf32, #tpu.memory_space<vmem>>, %arg2: memref<32x2048xf32, #tpu.memory_space<vmem>>) attributes {dimension_semantics = [], scalar_prefetch = 0 : i64, scratch_operands = 0 : i64, tpu.core_type = #tpu.core_type<tc>} {
    %get3A = arith.constant 0 : index
    %get3A_0 = arith.constant 0 : index
    %get3A_1 = vector.load %arg0[%get3A, %get3A_0] : memref<32x2048xf32, #tpu.memory_space<vmem>>, vector<32x2048xf32>
    %get3A_2 = arith.constant 0 : index
    %get3A_3 = arith.constant 0 : index
    %get3A_4 = vector.load %arg1[%get3A_2, %get3A_3] : memref<32x1xf32, #tpu.memory_space<vmem>>, vector<32x1xf32>
    %reduce_max3A = arith.constant dense<0xFF800000> : vector<32xf32>
    %reduce_max3A_5 = vector.multi_reduction <maximumf>, %get3A_1, %reduce_max3A [1] : vector<32x2048xf32> to vector<32xf32>
    %broadcast_in_dim3A = vector.shape_cast %reduce_max3A_5 : vector<32xf32> to vector<32x1xf32>
    %max3A = arith.maximumf %broadcast_in_dim3A, %get3A_4 : vector<32x1xf32>
    %sub3A = vector.broadcast %max3A : vector<32x1xf32> to vector<32x2048xf32>
    %sub3A_6 = arith.subf %get3A_1, %sub3A : vector<32x2048xf32>
    %exp3A = math.exp %sub3A_6 : vector<32x2048xf32>
    %sub3A_7 = arith.subf %get3A_4, %max3A : vector<32x1xf32>
    %exp3A_8 = math.exp %sub3A_7 : vector<32x1xf32>
    %reduce_sum3A = arith.constant dense<0.000000e+00> : vector<32xf32>
    %reduce_sum3A_9 = vector.multi_reduction <add>, %exp3A, %reduce_sum3A [1] : vector<32x2048xf32> to vector<32xf32>
    %broadcast_in_dim3A_10 = vector.shape_cast %reduce_sum3A_9 : vector<32xf32> to vector<32x1xf32>
    %add3A = arith.addf %broadcast_in_dim3A_10, %exp3A_8 : vector<32x1xf32>
    %div3A = vector.broadcast %add3A : vector<32x1xf32> to vector<32x2048xf32>
    %div3A_11 = arith.divf %exp3A, %div3A : vector<32x2048xf32>
    %swap3A = arith.constant 0 : index
    %swap3A_12 = arith.constant 0 : index
    %swap3A_13 = vector.load %arg2[%swap3A, %swap3A_12] : memref<32x2048xf32, #tpu.memory_space<vmem>>, vector<32x2048xf32>
    tpu.vector_store %arg2[%swap3A, %swap3A_12], %div3A_11 {strides = array<i32>} : memref<32x2048xf32, #tpu.memory_space<vmem>>, vector<32x2048xf32>,
    return
  }
}

</mosaic_0001>

<sc_bundles>
// kernel: kernel.6.cloned.1.call-start
scs
__scs_entry_jumppad:
0x0: {  	(pc) =	sbr.rel $0x88, $3  }
0x1: {  	(tag) =	ssettag $0x0;
	lr =	simm.s32 $0x1  }
0x2: {  	[smem:$0x3F9E] =	sst lr;
	_ =	strace $0xD0000000  }
0x3: {  	_ = 	snop  }
0x4: {  	_ = 	snop  }
0x5: {  	_ = 	snop  }
0x6: {  	_ = 	snop  }
0x7: {  	_ = 	snop  }
__scs_overlays_trampoline_lowered:
0x8: {  	[smem:$0x3FAD] =	sst s0  }
0x9: {  	[smem:$0x3FAE] =	sst s1  }
0xa: {  	[smem:$0x3FAF] =	sst s2  }
0xb: {  	[smem:$0x3FB0] =	sst s3  }
0xc: {  	[smem:$0x3FB1] =	sst s4  }
0xd: {  	[smem:$0x3FB2] =	sst s5  }
0xe: {  	[smem:$0x3FB3] =	sst s6  }
0xf: {  	[smem:$0x3FB4] =	sst s7  }
0x10: {  	[smem:$0x3FB5] =	sst s8  }
0x11: {  	[smem:$0x3FB6] =	sst s9;
	s0 =	simm.s32 @!p0 $0x0  }
0x12: {  	s1 =	sld [smem:$0x3F9C];
	s0 =	simm.s32 @p0 $0x1  }
0x13: {  	[smem:$0x3FB7] =	sst s0;
	s0 =	simm.s32 @!p1 $0x0  }
0x14: {  	s2 =	sld [smem:$0x3F9B];
	s0 =	simm.s32 @p1 $0x1  }
0x15: {  	[smem:$0x3FB8] =	sst s0;
	s0 =	simm.s32 @!p2 $0x0  }
0x16: {  	s3 =	sld [smem:$0x3FDB];
	s0 =	simm.s32 @p2 $0x1  }
0x17: {  	s4 =	simm.s32 $0x1BF5;
	[smem:$0x3FBA] =	sst s0  }
0x18: {  	s0 =	sld [smem:$0x3F9D];
	_ =	swait.ge [sflag:s4], $0x0  }
0x19: {  	s7 =	sld [smem:$0x3F9E]  }
0x1a: {  	s8 =	sadd.s32 $0xFFFFE003, lr  }
0x1b: {  	s9 =	sadd.s32 $0xFFFFFEF7, lr;
	s5 =	simm.s32 $0xFFFFFFFF;
	p2 =	slt.u32 s8, $0xFFFFF086  }
0x1c: {  	p1 =	slt.u32 s9, $0xF7A;
	s5 =	simm.s32 @!p2 $0x0  }
0x1d: {  	s5 =	simm.s32 @p1 $0x1;
	p0 =	seq.s32 s7, s2  }
0x1e: {  	s7 =	smul.u32 @!p0 $0xF7A, s2;
	p2 =	seq.s32 @!p0 s5, $0x0  }
0x1f: {  	s9 =	smul.u32 $0xF7A, s1;
	s8 =	simm.s32 @!p0 $0x1BF5;
	p2 =	por !p2, p0  }
0x20: {  	[sflag:s8] =	ssyncset.s32 @!p0 $0xFFFFF086;
	s6 =	sadd.s32 @!p0 s3, s7;
	s7 =	simm.s32 @!p0 $0x108  }
0x21: {  	s3 =	sadd.s32 s3, s9;
	s6 =	sadd.s32 @!p0 $0x88, s6;
	s7 =	simm.s32 @p2 $0x1082  }
0x22: {  	[simem:s7], [sflag:s8] =	dma.local @!p0 [hbm:s6], $0xF7A  }
0x23: {  	s9 =	sor.u32 $0xD0000000, s2;
	s6 =	simm.s32 $0x108;
	_ =	swait.ge @!p0 [sflag:s8], $0x0  }
0x24: {  	s3 =	sadd.s32 $0x88, s3;
	s6 =	simm.s32 @!p1 $0x1082;
	[sflag:s4] =	ssyncset.s32 $0xFFFFF086  }
0x25: {  	[simem:s6], [sflag:s4] =	dma.local [hbm:s3], $0xF7A  }
0x26: {  	[smem:$0x3F9E] =	sst s1;
	(tag) =	ssettag s2;
	_ =	strace s9  }
0x27: {  	s1 =	sld [smem:$0x3FAE]  }
0x28: {  	s2 =	sld [smem:$0x3FAF]  }
0x29: {  	s4 =	sld [smem:$0x3FB1]  }
0x2a: {  	p0 =	seq.s32 s5, $0x0;
	s5 =	sld [smem:$0x3FB2]  }
0x2b: {  	s6 =	sld [smem:$0x3FB3]  }
0x2c: {  	s7 =	sld [smem:$0x3FB4]  }
0x2d: {  	s3 =	simm.s32 $0x108;
	s8 =	sld [smem:$0x3FB5]  }
0x2e: {  	s3 =	simm.s32 @!p0 $0x1082;
	s9 =	sld [smem:$0x3FB6]  }
0x2f: {  	lr =	sadd.s32 s0, s3;
	s0 =	sld [smem:$0x3FAD]  }
0x30: {  	s3 =	sld [smem:$0x3FB0]  }
0x31: {  	[smem:$0x3FB9] =	sst s10  }
0x32: {  	s10 =	sld [smem:$0x3FB7];
	_ =	sdelay $0x3  }
0x33: {  	p0 =	seq.s32 s10, $0x1;
	s10 =	sld [smem:$0x3FB9];
	_ =	sdelay $0x3  }
0x34: {  	[smem:$0x3FB9] =	sst s10  }
0x35: {  	s10 =	sld [smem:$0x3FB8];
	_ =	sdelay $0x3  }
0x36: {  	p1 =	seq.s32 s10, $0x1;
	s10 =	sld [smem:$0x3FB9];
	_ =	sdelay $0x3  }
0x37: {  	[smem:$0x3FB9] =	sst s10  }
0x38: {  	s10 =	sld [smem:$0x3FBA]  }
0x39: {  	_ = 	snop;
	(pc) =	sbr.ind lr, $3  }
0x3a: {  	_ = 	snop  }
0x3b: {  	_ = 	snop  }
0x3c: {  	p2 =	seq.s32 s10, $0x1;
	s10 =	sld [smem:$0x3FB9]  }
0x3d: {  	_ =	shalt  }
0x3e: {  	_ =	shalt  }
0x3f: {  	_ =	shalt  }
0x40: {  	_ =	shalt  }
0x41: {  	_ =	shalt  }
0x42: {  	_ =	shalt  }
0x43: {  	_ =	shalt  }
0x44: {  	_ =	shalt  }
0x45: {  	_ =	shalt  }
0x46: {  	_ =	shalt  }
0x47: {  	_ =	shalt  }
0x48: {  	_ =	shalt  }
0x49: {  	_ =	shalt  }
0x4a: {  	_ =	shalt  }
0x4b: {  	_ =	shalt  }
0x4c: {  	_ =	shalt  }
0x4d: {  	_ =	shalt  }
0x4e: {  	_ =	shalt  }
0x4f: {  	_ =	shalt  }
0x50: {  	_ =	shalt  }
0x51: {  	_ =	shalt  }
0x52: {  	_ =	shalt  }
0x53: {  	_ =	shalt  }
0x54: {  	_ =	shalt  }
0x55: {  	_ =	shalt  }
0x56: {  	_ =	shalt  }
0x57: {  	_ =	shalt  }
0x58: {  	_ =	shalt  }
0x59: {  	_ =	shalt  }
0x5a: {  	_ =	shalt  }
0x5b: {  	_ =	shalt  }
0x5c: {  	_ =	shalt  }
0x5d: {  	_ =	shalt  }
0x5e: {  	_ =	shalt  }
0x5f: {  	_ =	shalt  }
0x60: {  	_ =	shalt  }
0x61: {  	_ =	shalt  }
0x62: {  	_ =	shalt  }
0x63: {  	_ =	shalt  }
0x64: {  	_ =	shalt  }
0x65: {  	_ =	shalt  }
0x66: {  	_ =	shalt  }
0x67: {  	_ =	shalt  }
0x68: {  	_ =	shalt  }
0x69: {  	_ =	shalt  }
0x6a: {  	_ =	shalt  }
0x6b: {  	_ =	shalt  }
0x6c: {  	_ =	shalt  }
0x6d: {  	_ =	shalt  }
0x6e: {  	_ =	shalt  }
0x6f: {  	_ =	shalt  }
0x70: {  	_ =	shalt  }
0x71: {  	_ =	shalt  }
0x72: {  	_ =	shalt  }
0x73: {  	_ =	shalt  }
0x74: {  	_ =	shalt  }
0x75: {  	_ =	shalt  }
0x76: {  	_ =	shalt  }
0x77: {  	_ =	shalt  }
0x78: {  	_ =	shalt  }
0x79: {  	_ =	shalt  }
0x7a: {  	_ =	shalt  }
0x7b: {  	_ =	shalt  }
0x7c: {  	_ =	shalt  }
0x7d: {  	_ =	shalt  }
0x7e: {  	_ =	shalt  }
0x7f: {  	_ =	shalt  }
0x80: {  	_ =	shalt  }
0x81: {  	_ =	shalt  }
0x82: {  	_ =	shalt  }
0x83: {  	_ =	shalt  }
0x84: {  	_ =	shalt  }
0x85: {  	_ =	shalt  }
0x86: {  	_ =	shalt  }
0x87: {  	_ =	shalt  }
.Lfunc_end0:
.L_simem_size_0:
called_computation_lowered:
.L_overlay_start_0:
0x88: {  	s2 =	sld [smem:$0x3FD9]  }
0x89: {  	s3 =	sld [smem:$0x3FFE];
	_ =	sdelay $0x1  }
0x8a: {  	s1 =	srdreg.scid  }
0x8b: {  	s0 =	sand.u32 $0x1, s1  }
0x8c: {  	s14 =	sshll.u32 s0, $0xA;
	s2 =	sadd.s32 s3, s2  }
0x8d: {  	s2 =	sadd.s32 s2, s14  }
0x8e: {  	[smem:$0x3FC5] =	sst s2  }
0x8f: {  	_ = 	snop  }
0x90: {  	s2 =	sld [smem:$0x3FD0];
	_ =	sdelay $0x2  }
0x91: {  	s15 =	simm.s32 $0xA;
	s4 =	simm.s32 $0x10  }
0x92: {  	[smem:s4], [sflag:s15] =	dma.local [hbm:s2], $0x1  }
0x93: {  	_ =	swait.eq [sflag:s15], $0x1  }
0x94: {  	[sflag:s15] =	ssyncset.done $0x0  }
0x95: {  	s16 =	sld [smem:$0x10];
	[sflag:s15] =	ssyncadd.s32 $0xFFFFFFFF  }
0x96: {  	s17 =	sld [smem:$0x11];
	(tm) =	ssettm $0x1  }
0x97: {  	s18 =	sld [smem:$0x3FFB];
	_ =	sdelay $0x3  }
0x98: {  	_ =	strace s18  }
0x99: {  	s4 =	sld [smem:$0x3FFC];
	_ =	sdelay $0x3  }
0x9a: {  	_ =	strace s4  }
0x9b: {  	s4 =	sld [smem:$0x3FFD];
	_ =	sdelay $0x3  }
0x9c: {  	_ =	strace s4  }
0x9d: {  	_ =	strace $0x8FFFFFFF  }
0x9e: {  	s19 =	sld [smem:$0x3FDB];
	_ =	sdelay $0x1  }
0x9f: {  	s5 =	simm.s32 $_scs_section_size  }
0xa0: {  	s6 =	simm.s32 $_size__tile_overlayer_lowered;
	s7 =	simm.s32 $_tile_overlayer_lowered  }
0xa1: {  	s22 =	simm.s32 $0x1BFF;
	s21 =	sshll.u32 s7, $0x1;
	s4 =	sadd.s32 s5, s19  }
0xa2: {  	s8 =	simm.s32 $0x0;
	s20 =	sshll.u32 s6, $0x1;
	s6 =	sadd.s32 s21, s4  }
0xa3: {  	[timem:s8], [sflag:s22] =	dma.local [hbm:s6], s20  }
0xa4: {  	_ =	swait.ge [sflag:s22], s20  }
0xa5: {  	s5 =	ssub.s32 $0x0, s20;
	[sflag:s22] =	ssyncset.done $0x0  }
0xa6: {  	[sflag:s22] =	ssyncadd.s32 s5;
	_ =	sdelay $0x1  }
0xa7: {  	s23 =	simm.s32 $0x1B8B  }
0xa8: {  	_ =	swait.ge [sflag:s23], $0x1  }
0xa9: {  	[sflag:s23] =	ssyncset.done $0x0  }
0xaa: {  	s25 =	simm.s32 $0x1B8E;
	s24 =	sld [smem:$0x3FFE];
	[sflag:s23] =	ssyncadd.s32 $0xFFFFFFFF  }
0xab: {  	s26 =	simm.s32 $execute0_lowered;
	[smem:$0x3FD2] =	sst s25  }
0xac: {  	s6 =	sshll.u32 s26, $0x1;
	_ =	strace $0x80000046;
	[dreg:$0x1] =	wrdreg $0xFFFFFFFF  }
0xad: {  	s28 =	simm.s32 $_size_execute0_lowered;
	s4 =	sadd.s32 s4, s6;
	[dreg:$0x0] =	wrdreg $0x0  }
0xae: {  	s6 =	sshll.u32 s28, $0x1;
	[dreg:$0x2] =	wrdreg s4  }
0xaf: {  	[dreg:$0x3] =	wrdreg s6  }
0xb0: {  	[dreg:$0x4] =	wrdreg $0xC0  }
0xb1: {  	_ =	task [dreg:s8], $0x5FFFF  }
0xb2: {  	[dreg:$0x1] =	wrdreg $0xFFFFFFFF  }
0xb3: {  	[dreg:$0x0] =	wrdreg $0x60  }
0xb4: {  	[dreg:$0x2] =	wrdreg s24  }
0xb5: {  	[dreg:$0x3] =	wrdreg s16  }
0xb6: {  	[dreg:$0x4] =	wrdreg s17  }
0xb7: {  	[dreg:$0x5] =	wrdreg $0x9  }
0xb8: {  	_ =	task.clear_ibuf [dreg:s8], $0x6FFFF;
	_ =	strace $0x90000046  }
0xb9: {  	s29 =	simm.s32 $0x9;
	_ =	strace $0x80000048  }
0xba: {  	_ =	swait.ge [sflag:s29], $0x1  }
0xbb: {  	[sflag:s29] =	ssyncadd.s32 $0xFFFFFFFF  }
0xbc: {  	_ =	strace $0x90000048  }
0xbd: {  	_ =	sfence  }
0xbe: {  	s30 =	sld [smem:$0x0];
	_ =	sdelay $0x2  }
0xbf: {  	s31 =	sshll.u32 s1, $0xD;
	s1 =	sshrl.u32 s1, $0x2  }
0xc0: {  	s3 =	sand.u32 $0x4000, s31;
	s1 =	sadd.s32 s1, s30  }
0xc1: {  	s0 =	sor.u32 s3, s0;
	s1 =	sshll.u32 s1, $0x11  }
0xc2: {  	s0 =	sor.u32 s1, s0  }
0xc3: {  	s0 =	sadd.s32 $0x8F2B, s0  }
0xc4: {  	[sflag:s0] =	ssyncadd.remote.s32 $0x1  }
0xc5: {  	_ =	sfence.sel $0xFFFF  }
0xc6: {  	[dreg:$0x0] =	wrdreg $0xFFFFFFFF;
	(pc) =	sbr.abs _section_cstart, $3  }
0xc7: {  	[dreg:$0x1] =	wrdreg $0xFFFFFFFF  }
0xc8: {  	_ =	task.clear_ibuf [dreg:s8], $0x2FFFF;
	_ =	strace $0x9FFFFFFF  }
0xc9: {  	(tm) =	ssettm $0x7FFFFFFF  }
tec
execute0_lowered:
.L_overlay_start_1:
0x0: {  	(tag) =	ssettag $0x1  }
0x1: {  	s3 =	rddreg [dreg:$0x0]  }
0x2: {  	s4 =	rddreg [dreg:$0x1]  }
0x3: {  	s5 =	rddreg [dreg:$0x2]  }
0x4: {  	s0 =	rddreg [dreg:$0x3]  }
0x5: {  	s2 =	simm.s32 $0x0;
	s6 =	srdreg.scid;
	s1 =	stileid.u32  }
0x6: {  	s11 =	simm.s32 $0x1800;
	s12 =	simm.s32 $0x2000;
	s13 =	simm.s32 $0x800  }
0x7: {  	s14 =	simm.s32 $0x1000;
	s15 =	simm.s32 $0x2880;
	s16 =	simm.s32 $0x2980  }
0x8: {  	s17 =	simm.s32 $0x0;
	[smem:$0x7FF] =	sst s2;
	s6 =	sand.u32 $0x1, s6  }
0x9: {  	s7 =	sshll.u32 s1, $0x8;
	s8 =	sshrl.u32 s1, $0x2;
	s9 =	sshll.u32 s6, $0x7  }
0xa: {  	s7 =	sand.u32 $0x300, s7;
	_ =	strace $0x80000047;
	s31 =	sshll.u32 s8, $0xE  }
0xb: {  	s6 =	ssub.s32 $0x2, s6;
	s8 =	sshll.u32 s8, $0xB;
	s7 =	sor.u32 s9, s7  }
0xc: {  	s10 =	sshrl.u32 s6, $0x1;
	s9 =	sor.u32 s31, s7;
	s7 =	sor.u32 s8, s7  }
0xd: {  	s6 =	ssub.s32 s6, s10;
	s8 =	simm.s32 $0x400;
	s10 =	simm.s32 $0x2800  }
0xe: {  	s9 =	sshrl.u32 s9, $0x3;
	s7 =	sshrl.u32 s7, $0x3;
	s6 =	smax.u32 s6, $0x1  }
0xf: {  	s3 =	sadd.s32 s9, s3;
	s4 =	sadd.s32 s4, s7;
	s5 =	sadd.s32 s5, s7  }
0x10: {  	v0 =	vlaneseq.u32;
	v1 =	vimm.s32 $0x0;
	s7 =	simm.s32 $0x80;
	s9 =	simm.s32 $0x1;
	s3 =	sadd.s32 $0x400, s3  }
.LBB2_1:
0x11: {  	[tilespmem:s2], [sflag:$0x1] =	stream.strided.gather [hbm4b:s3+s7], $0x800, s8, s7, $0x38;
	[tilespmem:$0x2A80] =	vst v63  }
0x12: {  	_ =	swait.ge [sflag:s9], $0x800  }
0x13: {  	[sflag:s9] =	ssyncset.done $0x0  }
0x14: {  	s18 =	simm.s32 $0x10;
	[sflag:s9] =	ssyncadd.s32 $0xFFFFF800  }
0x15: {  	v2 =	vld [tilespmem:s18+$0xFFFFFFF0];
	_ =	sdelay $0x4  }
0x16: {  	s19 =	simm.s32 $0x810;
	s21 =	simm.s32 $0x0;
	v2 =	vxor.u32 $0xFFFFFFFF, v2  }
0x17: {  	s20 =	simm.s32 $0x1010;
	[tilespmem:s19+$0xFFFFFFF0] =	vst v2;
	v2 =	vor.u32 s21, v0  }
0x18: {  	[tilespmem:s20+$0xFFFFFFF0] =	vst v2  }
0x19: {  	v2 =	vld [tilespmem:s18+$0x0];
	_ =	sdelay $0x4  }
0x1a: {  	v2 =	vxor.u32 $0xFFFFFFFF, v2  }
0x1b: {  	s22 =	simm.s32 $0x1030;
	s23 =	simm.s32 $0x30;
	s21 =	simm.s32 $0x0;
	[tilespmem:s19+$0x0] =	vst v2;
	v2 =	vor.u32 s18, v0  }
.LBB2_2:
0x1c: {  	s21 =	sadd.s32 $0x2, s21;
	[tilespmem:s20+$0x0] =	vst v2;
	s18 =	sadd.s32 $0x20, s18;
	s19 =	sadd.s32 $0x20, s19  }
0x1d: {  	s20 =	smov.u32 s22;
	v2 =	vld [tilespmem:s18+$0xFFFFFFF0];
	p0 =	slt.u32 s21, $0x7E;
	_ =	sdelay $0x4  }
0x1e: {  	s24 =	sadd.s32 $0xFFFFFFF0, s23;
	v2 =	vxor.u32 $0xFFFFFFFF, v2  }
0x1f: {  	[tilespmem:s19+$0xFFFFFFF0] =	vst v2;
	v2 =	vor.u32 s24, v0  }
0x20: {  	[tilespmem:s22+$0xFFFFFFF0] =	vst v2  }
0x21: {  	v2 =	vld [tilespmem:s18+$0x0];
	_ =	sdelay $0x1  }
.Ltmp0:
0x22: {  	(pc) =	sbr.rel @p0 .LBB2_2-.Ltmp0, $3  }
0x23: {  	_ =	sdelay $0x1  }
0x24: {  	v2 =	vxor.u32 $0xFFFFFFFF, v2  }
0x25: {  	s22 =	sadd.s32 $0x20, s22;
	[tilespmem:s19+$0x0] =	vst v2;
	v2 =	vor.u32 s23, v0;
	s23 =	sadd.s32 $0x20, s23  }
0x26: {  	[tilespmem:s20+$0x0] =	vst v2  }
0x27: {  	[tilespmem:$0x2800] =	vst v1  }
0x28: {  	s18 =	simm.s32 $0xFFFFFFFE;
	s19 =	simm.s32 $0x810;
	[tilespmem:$0x2810] =	vst v1  }
.LBB2_4:
0x29: {  	v2 =	vld [tilespmem:s19+$0xFFFFFFF0];
	_ =	sdelay $0x4  }
0x2a: {  	v2 =	vand.u32 $0x1F, v2  }
0x2b: {  	(xrf1) =	vunique.msk.u32 $0xffff, v2;
	_ =	sdelay $0xd  }
0x2c: {  	_, v3, vm0 =	vpop (xrf1);
	_ =	sdelay $0x5  }
0x2d: {  	[tilespmem:v2+s10+$0x0] =	vst.idx.add.s32.msk vm0, v3  }
0x2e: {  	v2 =	vld [tilespmem:s19+$0x0];
	_ =	sdelay $0x4  }
0x2f: {  	v2 =	vand.u32 $0x1F, v2  }
0x30: {  	(xrf1) =	vunique.msk.u32 $0xffff, v2;
	_ =	sdelay $0xd  }
0x31: {  	s18 =	sadd.s32 $0x2, s18;
	_, v3, vm0 =	vpop (xrf1)  }
0x32: {  	p0 =	slt.u32 s18, $0x7E  }
.Ltmp1:
0x33: {  	_ = 	snop;
	(pc) =	sbr.rel @p0 .LBB2_4-.Ltmp1, $2  }
0x34: {  	_ =	sdelay $0x2  }
0x35: {  	s19 =	sadd.s32 $0x20, s19;
	[tilespmem:v2+s10+$0x0] =	vst.idx.add.s32.msk vm0, v3  }
0x36: {  	v2 =	vld [tilespmem:$0x2800]  }
0x37: {  	v3 =	vld [tilespmem:$0x2810];
	_ =	sdelay $0x3  }
0x38: {  	(xrf0) =	vadd.scan.msk.s32 $0xffff, v2  }
0x39: {  	(xrf0) =	vadd.scan.msk.s32 $0xffff, v3;
	_ =	sdelay $0x4  }
0x3a: {  	v4, _, _ =	vpop (xrf0)  }
0x3b: {  	v5, _, _ =	vpop (xrf0);
	v6 =	vbroadcast v4, $0xF  }
0x3c: {  	v2 =	vsub.s32 v4, v2;
	v3 =	vsub.s32 v5, v3  }
0x3d: {  	[tilespmem:$0x2800] =	vst v2;
	v3 =	vadd.s32 v6, v3  }
0x3e: {  	s18 =	simm.s32 $0xFFFFFFFE;
	s19 =	simm.s32 $0x1010;
	s20 =	simm.s32 $0x810;
	[tilespmem:$0x2810] =	vst v3  }
.LBB2_6:
0x3f: {  	v2 =	vld [tilespmem:s20+$0xFFFFFFF0];
	_ =	sdelay $0x4  }
0x40: {  	v3 =	vand.u32 $0x1F, v2  }
0x41: {  	(xrf1) =	vunique.msk.u32 $0xffff, v3;
	_ =	sdelay $0x9  }
0x42: {  	v4 =	vld.idx.msk [tilespmem:v3+s10+$0x0], $0xffff;
	_ =	sdelay $0x3  }
0x43: {  	_, v5, vm0 =	vpop (xrf1)  }
0x44: {  	v4 =	vadd.s32 v4, v5  }
0x45: {  	v5 =	vadd.s32 $0xFFFFFFFF, v4  }
0x46: {  	v6 =	vld [tilespmem:s19+$0xFFFFFFF0];
	_ =	sdelay $0x3  }
0x47: {  	[tilespmem:v5+s11+$0x0] =	vst.idx.msk $0xffff, v2  }
0x48: {  	[tilespmem:v5+s12+$0x0] =	vst.idx.msk $0xffff, v6  }
0x49: {  	[tilespmem:v3+s10+$0x0] =	vst.idx.msk vm0, v4  }
0x4a: {  	v2 =	vld [tilespmem:s20+$0x0];
	_ =	sdelay $0x4  }
0x4b: {  	v3 =	vand.u32 $0x1F, v2  }
0x4c: {  	(xrf1) =	vunique.msk.u32 $0xffff, v3;
	_ =	sdelay $0x9  }
0x4d: {  	v4 =	vld.idx.msk [tilespmem:v3+s10+$0x0], $0xffff;
	_ =	sdelay $0x3  }
0x4e: {  	_, v63, vm15 =	vpop (xrf1)  }
0x4f: {  	v4 =	vadd.s32 v4, v63  }
0x50: {  	v5 =	vadd.s32 $0xFFFFFFFF, v4  }
0x51: {  	s18 =	sadd.s32 $0x2, s18;
	v6 =	vld [tilespmem:s19+$0x0]  }
0x52: {  	p0 =	slt.u32 s18, $0x7E  }
.Ltmp2:
0x53: {  	_ = 	snop;
	(pc) =	sbr.rel @p0 .LBB2_6-.Ltmp2, $4  }
0x54: {  	_ = 	snop  }
0x55: {  	[tilespmem:v5+s11+$0x0] =	vst.idx.msk $0xffff, v2  }
0x56: {  	[tilespmem:v5+s12+$0x0] =	vst.idx.msk $0xffff, v6  }
0x57: {  	s19 =	sadd.s32 $0x20, s19;
	s20 =	sadd.s32 $0x20, s20;
	[tilespmem:v3+s10+$0x0] =	vst.idx.msk vm15, v4  }
0x58: {  	[tilespmem:$0x2800] =	vst v1  }
0x59: {  	[tilespmem:$0x2810] =	vst v1;
	s18 =	simm.s32 $0xFFFFFFFE;
	s19 =	simm.s32 $0x1810  }
.LBB2_8:
0x5a: {  	v2 =	vld [tilespmem:s19+$0xFFFFFFF0];
	_ =	sdelay $0x4  }
0x5b: {  	v2 =	vshrl.u32 v2, $0x5  }
0x5c: {  	v2 =	vand.u32 $0x1F, v2  }
0x5d: {  	(xrf1) =	vunique.msk.u32 $0xffff, v2;
	_ =	sdelay $0xd  }
0x5e: {  	_, v3, vm0 =	vpop (xrf1);
	_ =	sdelay $0x5  }
0x5f: {  	[tilespmem:v2+s10+$0x0] =	vst.idx.add.s32.msk vm0, v3  }
0x60: {  	v2 =	vld [tilespmem:s19+$0x0];
	_ =	sdelay $0x4  }
0x61: {  	v2 =	vshrl.u32 v2, $0x5  }
0x62: {  	v2 =	vand.u32 $0x1F, v2  }
0x63: {  	(xrf1) =	vunique.msk.u32 $0xffff, v2;
	_ =	sdelay $0xd  }
0x64: {  	s18 =	sadd.s32 $0x2, s18;
	_, v3, vm0 =	vpop (xrf1)  }
0x65: {  	p0 =	slt.u32 s18, $0x7E  }
.Ltmp3:
0x66: {  	_ = 	snop;
	(pc) =	sbr.rel @p0 .LBB2_8-.Ltmp3, $2  }
0x67: {  	_ =	sdelay $0x2  }
0x68: {  	s19 =	sadd.s32 $0x20, s19;
	[tilespmem:v2+s10+$0x0] =	vst.idx.add.s32.msk vm0, v3  }
0x69: {  	v2 =	vld [tilespmem:$0x2800]  }
0x6a: {  	v3 =	vld [tilespmem:$0x2810];
	_ =	sdelay $0x3  }
0x6b: {  	(xrf0) =	vadd.scan.msk.s32 $0xffff, v2  }
0x6c: {  	(xrf0) =	vadd.scan.msk.s32 $0xffff, v3;
	_ =	sdelay $0x4  }
0x6d: {  	v4, _, _ =	vpop (xrf0)  }
0x6e: {  	v5, _, _ =	vpop (xrf0);
	v6 =	vbroadcast v4, $0xF  }
0x6f: {  	v2 =	vsub.s32 v4, v2;
	v3 =	vsub.s32 v5, v3  }
0x70: {  	[tilespmem:$0x2800] =	vst v2;
	v3 =	vadd.s32 v6, v3  }
0x71: {  	s18 =	simm.s32 $0xFFFFFFFE;
	s19 =	simm.s32 $0x2010;
	s20 =	simm.s32 $0x1810;
	[tilespmem:$0x2810] =	vst v3  }
.LBB2_10:
0x72: {  	v2 =	vld [tilespmem:s20+$0xFFFFFFF0];
	_ =	sdelay $0x4  }
0x73: {  	v3 =	vshrl.u32 v2, $0x5  }
0x74: {  	v3 =	vand.u32 $0x1F, v3  }
0x75: {  	(xrf1) =	vunique.msk.u32 $0xffff, v3;
	_ =	sdelay $0x9  }
0x76: {  	v4 =	vld.idx.msk [tilespmem:v3+s10+$0x0], $0xffff;
	_ =	sdelay $0x3  }
0x77: {  	_, v5, vm0 =	vpop (xrf1)  }
0x78: {  	v4 =	vadd.s32 v4, v5  }
0x79: {  	v5 =	vadd.s32 $0xFFFFFFFF, v4  }
0x7a: {  	v6 =	vld [tilespmem:s19+$0xFFFFFFF0];
	_ =	sdelay $0x3  }
0x7b: {  	[tilespmem:v5+s13+$0x0] =	vst.idx.msk $0xffff, v2  }
0x7c: {  	[tilespmem:v5+s14+$0x0] =	vst.idx.msk $0xffff, v6  }
0x7d: {  	[tilespmem:v3+s10+$0x0] =	vst.idx.msk vm0, v4  }
0x7e: {  	v2 =	vld [tilespmem:s20+$0x0];
	_ =	sdelay $0x4  }
0x7f: {  	v3 =	vshrl.u32 v2, $0x5  }
0x80: {  	v3 =	vand.u32 $0x1F, v3  }
0x81: {  	(xrf1) =	vunique.msk.u32 $0xffff, v3;
	_ =	sdelay $0x9  }
0x82: {  	v4 =	vld.idx.msk [tilespmem:v3+s10+$0x0], $0xffff;
	_ =	sdelay $0x3  }
0x83: {  	_, v63, vm15 =	vpop (xrf1)  }
0x84: {  	v4 =	vadd.s32 v4, v63  }
0x85: {  	v5 =	vadd.s32 $0xFFFFFFFF, v4  }
0x86: {  	s18 =	sadd.s32 $0x2, s18;
	v6 =	vld [tilespmem:s19+$0x0]  }
0x87: {  	p0 =	slt.u32 s18, $0x7E  }
.Ltmp4:
0x88: {  	_ = 	snop;
	(pc) =	sbr.rel @p0 .LBB2_10-.Ltmp4, $4  }
0x89: {  	_ = 	snop  }
0x8a: {  	[tilespmem:v5+s13+$0x0] =	vst.idx.msk $0xffff, v2  }
0x8b: {  	[tilespmem:v5+s14+$0x0] =	vst.idx.msk $0xffff, v6  }
0x8c: {  	s19 =	sadd.s32 $0x20, s19;
	s20 =	sadd.s32 $0x20, s20;
	[tilespmem:v3+s10+$0x0] =	vst.idx.msk vm15, v4  }
0x8d: {  	[tilespmem:$0x2800] =	vst v1  }
0x8e: {  	[tilespmem:$0x2810] =	vst v1;
	s18 =	simm.s32 $0xFFFFFFFE;
	s19 =	simm.s32 $0x810  }
.LBB2_12:
0x8f: {  	v2 =	vld [tilespmem:s19+$0xFFFFFFF0];
	_ =	sdelay $0x4  }
0x90: {  	v2 =	vshrl.u32 v2, $0xA  }
0x91: {  	v2 =	vand.u32 $0x1F, v2  }
0x92: {  	(xrf1) =	vunique.msk.u32 $0xffff, v2;
	_ =	sdelay $0xd  }
0x93: {  	_, v3, vm0 =	vpop (xrf1);
	_ =	sdelay $0x5  }
0x94: {  	[tilespmem:v2+s10+$0x0] =	vst.idx.add.s32.msk vm0, v3  }
0x95: {  	v2 =	vld [tilespmem:s19+$0x0];
	_ =	sdelay $0x4  }
0x96: {  	v2 =	vshrl.u32 v2, $0xA  }
0x97: {  	v2 =	vand.u32 $0x1F, v2  }
0x98: {  	(xrf1) =	vunique.msk.u32 $0xffff, v2;
	_ =	sdelay $0xd  }
0x99: {  	s18 =	sadd.s32 $0x2, s18;
	_, v3, vm0 =	vpop (xrf1)  }
0x9a: {  	p0 =	slt.u32 s18, $0x7E  }
.Ltmp5:
0x9b: {  	_ = 	snop;
	(pc) =	sbr.rel @p0 .LBB2_12-.Ltmp5, $2  }
0x9c: {  	_ =	sdelay $0x2  }
0x9d: {  	s19 =	sadd.s32 $0x20, s19;
	[tilespmem:v2+s10+$0x0] =	vst.idx.add.s32.msk vm0, v3  }
0x9e: {  	v2 =	vld [tilespmem:$0x2800]  }
0x9f: {  	v3 =	vld [tilespmem:$0x2810];
	_ =	sdelay $0x3  }
0xa0: {  	(xrf0) =	vadd.scan.msk.s32 $0xffff, v2  }
0xa1: {  	(xrf0) =	vadd.scan.msk.s32 $0xffff, v3;
	_ =	sdelay $0x4  }
0xa2: {  	v4, _, _ =	vpop (xrf0)  }
0xa3: {  	v5, _, _ =	vpop (xrf0);
	v6 =	vbroadcast v4, $0xF  }
0xa4: {  	v2 =	vsub.s32 v4, v2;
	v3 =	vsub.s32 v5, v3  }
0xa5: {  	[tilespmem:$0x2800] =	vst v2;
	v3 =	vadd.s32 v6, v3  }
0xa6: {  	s18 =	simm.s32 $0xFFFFFFFE;
	s19 =	simm.s32 $0x1010;
	s20 =	simm.s32 $0x810;
	[tilespmem:$0x2810] =	vst v3  }
.LBB2_14:
0xa7: {  	v2 =	vld [tilespmem:s20+$0xFFFFFFF0];
	_ =	sdelay $0x4  }
0xa8: {  	v3 =	vshrl.u32 v2, $0xA  }
0xa9: {  	v3 =	vand.u32 $0x1F, v3  }
0xaa: {  	(xrf1) =	vunique.msk.u32 $0xffff, v3;
	_ =	sdelay $0x9  }
0xab: {  	v4 =	vld.idx.msk [tilespmem:v3+s10+$0x0], $0xffff;
	_ =	sdelay $0x3  }
0xac: {  	_, v5, vm0 =	vpop (xrf1)  }
0xad: {  	v4 =	vadd.s32 v4, v5  }
0xae: {  	v5 =	vadd.s32 $0xFFFFFFFF, v4  }
0xaf: {  	v6 =	vld [tilespmem:s19+$0xFFFFFFF0];
	_ =	sdelay $0x3  }
0xb0: {  	[tilespmem:v5+s11+$0x0] =	vst.idx.msk $0xffff, v2  }
0xb1: {  	[tilespmem:v5+s12+$0x0] =	vst.idx.msk $0xffff, v6  }
0xb2: {  	[tilespmem:v3+s10+$0x0] =	vst.idx.msk vm0, v4  }
0xb3: {  	v2 =	vld [tilespmem:s20+$0x0];
	_ =	sdelay $0x4  }
0xb4: {  	v3 =	vshrl.u32 v2, $0xA  }
0xb5: {  	v3 =	vand.u32 $0x1F, v3  }
0xb6: {  	(xrf1) =	vunique.msk.u32 $0xffff, v3;
	_ =	sdelay $0x9  }
0xb7: {  	v4 =	vld.idx.msk [tilespmem:v3+s10+$0x0], $0xffff;
	_ =	sdelay $0x3  }
0xb8: {  	_, v63, vm15 =	vpop (xrf1)  }
0xb9: {  	v4 =	vadd.s32 v4, v63  }
0xba: {  	v5 =	vadd.s32 $0xFFFFFFFF, v4  }
0xbb: {  	s18 =	sadd.s32 $0x2, s18;
	v6 =	vld [tilespmem:s19+$0x0]  }
0xbc: {  	p0 =	slt.u32 s18, $0x7E  }
.Ltmp6:
0xbd: {  	_ = 	snop;
	(pc) =	sbr.rel @p0 .LBB2_14-.Ltmp6, $4  }
0xbe: {  	_ = 	snop  }
0xbf: {  	[tilespmem:v5+s11+$0x0] =	vst.idx.msk $0xffff, v2  }
0xc0: {  	[tilespmem:v5+s12+$0x0] =	vst.idx.msk $0xffff, v6  }
0xc1: {  	s19 =	sadd.s32 $0x20, s19;
	s20 =	sadd.s32 $0x20, s20;
	[tilespmem:v3+s10+$0x0] =	vst.idx.msk vm15, v4  }
0xc2: {  	[tilespmem:$0x2800] =	vst v1  }
0xc3: {  	[tilespmem:$0x2810] =	vst v1;
	s18 =	simm.s32 $0xFFFFFFFE;
	s19 =	simm.s32 $0x1810  }
.LBB2_16:
0xc4: {  	v2 =	vld [tilespmem:s19+$0xFFFFFFF0];
	_ =	sdelay $0x4  }
0xc5: {  	v2 =	vshrl.u32 v2, $0xF  }
0xc6: {  	v2 =	vand.u32 $0x1F, v2  }
0xc7: {  	(xrf1) =	vunique.msk.u32 $0xffff, v2;
	_ =	sdelay $0xd  }
0xc8: {  	_, v3, vm0 =	vpop (xrf1);
	_ =	sdelay $0x5  }
0xc9: {  	[tilespmem:v2+s10+$0x0] =	vst.idx.add.s32.msk vm0, v3  }
0xca: {  	v2 =	vld [tilespmem:s19+$0x0];
	_ =	sdelay $0x4  }
0xcb: {  	v2 =	vshrl.u32 v2, $0xF  }
0xcc: {  	v2 =	vand.u32 $0x1F, v2  }
0xcd: {  	(xrf1) =	vunique.msk.u32 $0xffff, v2;
	_ =	sdelay $0xd  }
0xce: {  	s18 =	sadd.s32 $0x2, s18;
	_, v3, vm0 =	vpop (xrf1)  }
0xcf: {  	p0 =	slt.u32 s18, $0x7E  }
.Ltmp7:
0xd0: {  	_ = 	snop;
	(pc) =	sbr.rel @p0 .LBB2_16-.Ltmp7, $2  }
0xd1: {  	_ =	sdelay $0x2  }
0xd2: {  	s19 =	sadd.s32 $0x20, s19;
	[tilespmem:v2+s10+$0x0] =	vst.idx.add.s32.msk vm0, v3  }
0xd3: {  	v2 =	vld [tilespmem:$0x2800]  }
0xd4: {  	v3 =	vld [tilespmem:$0x2810];
	_ =	sdelay $0x3  }
0xd5: {  	(xrf0) =	vadd.scan.msk.s32 $0xffff, v2  }
0xd6: {  	(xrf0) =	vadd.scan.msk.s32 $0xffff, v3;
	_ =	sdelay $0x4  }
0xd7: {  	v4, _, _ =	vpop (xrf0)  }
0xd8: {  	v5, _, _ =	vpop (xrf0);
	v6 =	vbroadcast v4, $0xF  }
0xd9: {  	v2 =	vsub.s32 v4, v2;
	v3 =	vsub.s32 v5, v3  }
0xda: {  	[tilespmem:$0x2800] =	vst v2;
	v3 =	vadd.s32 v6, v3  }
0xdb: {  	s18 =	simm.s32 $0xFFFFFFFE;
	s19 =	simm.s32 $0x2010;
	s20 =	simm.s32 $0x1810;
	[tilespmem:$0x2810] =	vst v3  }
.LBB2_18:
0xdc: {  	v2 =	vld [tilespmem:s20+$0xFFFFFFF0];
	_ =	sdelay $0x4  }
0xdd: {  	v3 =	vshrl.u32 v2, $0xF  }
0xde: {  	v3 =	vand.u32 $0x1F, v3  }
0xdf: {  	(xrf1) =	vunique.msk.u32 $0xffff, v3;
	_ =	sdelay $0x9  }
0xe0: {  	v4 =	vld.idx.msk [tilespmem:v3+s10+$0x0], $0xffff;
	_ =	sdelay $0x3  }
0xe1: {  	_, v5, vm0 =	vpop (xrf1)  }
0xe2: {  	v4 =	vadd.s32 v4, v5  }
0xe3: {  	v5 =	vadd.s32 $0xFFFFFFFF, v4  }
0xe4: {  	v6 =	vld [tilespmem:s19+$0xFFFFFFF0];
	_ =	sdelay $0x3  }
0xe5: {  	[tilespmem:v5+s13+$0x0] =	vst.idx.msk $0xffff, v2  }
0xe6: {  	[tilespmem:v5+s14+$0x0] =	vst.idx.msk $0xffff, v6  }
0xe7: {  	[tilespmem:v3+s10+$0x0] =	vst.idx.msk vm0, v4  }
0xe8: {  	v2 =	vld [tilespmem:s20+$0x0];
	_ =	sdelay $0x4  }
0xe9: {  	v3 =	vshrl.u32 v2, $0xF  }
0xea: {  	v3 =	vand.u32 $0x1F, v3  }
0xeb: {  	(xrf1) =	vunique.msk.u32 $0xffff, v3;
	_ =	sdelay $0x9  }
0xec: {  	v4 =	vld.idx.msk [tilespmem:v3+s10+$0x0], $0xffff;
	_ =	sdelay $0x3  }
0xed: {  	_, v63, vm15 =	vpop (xrf1)  }
0xee: {  	v4 =	vadd.s32 v4, v63  }
0xef: {  	v5 =	vadd.s32 $0xFFFFFFFF, v4  }
0xf0: {  	s18 =	sadd.s32 $0x2, s18;
	v6 =	vld [tilespmem:s19+$0x0]  }
0xf1: {  	p0 =	slt.u32 s18, $0x7E  }
.Ltmp8:
0xf2: {  	_ = 	snop;
	(pc) =	sbr.rel @p0 .LBB2_18-.Ltmp8, $4  }
0xf3: {  	_ = 	snop  }
0xf4: {  	[tilespmem:v5+s13+$0x0] =	vst.idx.msk $0xffff, v2  }
0xf5: {  	[tilespmem:v5+s14+$0x0] =	vst.idx.msk $0xffff, v6  }
0xf6: {  	s19 =	sadd.s32 $0x20, s19;
	s20 =	sadd.s32 $0x20, s20;
	[tilespmem:v3+s10+$0x0] =	vst.idx.msk vm15, v4  }
0xf7: {  	[tilespmem:$0x2800] =	vst v1  }
0xf8: {  	[tilespmem:$0x2810] =	vst v1;
	s18 =	simm.s32 $0xFFFFFFFE;
	s19 =	simm.s32 $0x810  }
.LBB2_20:
0xf9: {  	v2 =	vld [tilespmem:s19+$0xFFFFFFF0];
	_ =	sdelay $0x4  }
0xfa: {  	v2 =	vshrl.u32 v2, $0x14  }
0xfb: {  	v2 =	vand.u32 $0x1F, v2  }
0xfc: {  	(xrf1) =	vunique.msk.u32 $0xffff, v2;
	_ =	sdelay $0xd  }
0xfd: {  	_, v3, vm0 =	vpop (xrf1);
	_ =	sdelay $0x5  }
0xfe: {  	[tilespmem:v2+s10+$0x0] =	vst.idx.add.s32.msk vm0, v3  }
0xff: {  	v2 =	vld [tilespmem:s19+$0x0];
	_ =	sdelay $0x4  }
0x100: {  	v2 =	vshrl.u32 v2, $0x14  }
0x101: {  	v2 =	vand.u32 $0x1F, v2  }
0x102: {  	(xrf1) =	vunique.msk.u32 $0xffff, v2;
	_ =	sdelay $0xd  }
0x103: {  	s18 =	sadd.s32 $0x2, s18;
	_, v3, vm0 =	vpop (xrf1)  }
0x104: {  	p0 =	slt.u32 s18, $0x7E  }
.Ltmp9:
0x105: {  	_ = 	snop;
	(pc) =	sbr.rel @p0 .LBB2_20-.Ltmp9, $2  }
0x106: {  	_ =	sdelay $0x2  }
0x107: {  	s19 =	sadd.s32 $0x20, s19;
	[tilespmem:v2+s10+$0x0] =	vst.idx.add.s32.msk vm0, v3  }
0x108: {  	v2 =	vld [tilespmem:$0x2800]  }
0x109: {  	v3 =	vld [tilespmem:$0x2810];
	_ =	sdelay $0x3  }
0x10a: {  	(xrf0) =	vadd.scan.msk.s32 $0xffff, v2  }
0x10b: {  	(xrf0) =	vadd.scan.msk.s32 $0xffff, v3;
	_ =	sdelay $0x4  }
0x10c: {  	v4, _, _ =	vpop (xrf0)  }
0x10d: {  	v5, _, _ =	vpop (xrf0);
	v6 =	vbroadcast v4, $0xF  }
0x10e: {  	v2 =	vsub.s32 v4, v2;
	v3 =	vsub.s32 v5, v3  }
0x10f: {  	[tilespmem:$0x2800] =	vst v2;
	v3 =	vadd.s32 v6, v3  }
0x110: {  	s18 =	simm.s32 $0xFFFFFFFE;
	s19 =	simm.s32 $0x1010;
	s20 =	simm.s32 $0x810;
	[tilespmem:$0x2810] =	vst v3  }
.LBB2_22:
0x111: {  	v2 =	vld [tilespmem:s20+$0xFFFFFFF0];
	_ =	sdelay $0x4  }
0x112: {  	v3 =	vshrl.u32 v2, $0x14  }
0x113: {  	v3 =	vand.u32 $0x1F, v3  }
0x114: {  	(xrf1) =	vunique.msk.u32 $0xffff, v3;
	_ =	sdelay $0x9  }
0x115: {  	v4 =	vld.idx.msk [tilespmem:v3+s10+$0x0], $0xffff;
	_ =	sdelay $0x3  }
0x116: {  	_, v5, vm0 =	vpop (xrf1)  }
0x117: {  	v4 =	vadd.s32 v4, v5  }
0x118: {  	v5 =	vadd.s32 $0xFFFFFFFF, v4  }
0x119: {  	v6 =	vld [tilespmem:s19+$0xFFFFFFF0];
	_ =	sdelay $0x3  }
0x11a: {  	[tilespmem:v5+s11+$0x0] =	vst.idx.msk $0xffff, v2  }
0x11b: {  	[tilespmem:v5+s12+$0x0] =	vst.idx.msk $0xffff, v6  }
0x11c: {  	[tilespmem:v3+s10+$0x0] =	vst.idx.msk vm0, v4  }
0x11d: {  	v2 =	vld [tilespmem:s20+$0x0];
	_ =	sdelay $0x4  }
0x11e: {  	v3 =	vshrl.u32 v2, $0x14  }
0x11f: {  	v3 =	vand.u32 $0x1F, v3  }
0x120: {  	(xrf1) =	vunique.msk.u32 $0xffff, v3;
	_ =	sdelay $0x9  }
0x121: {  	v4 =	vld.idx.msk [tilespmem:v3+s10+$0x0], $0xffff;
	_ =	sdelay $0x3  }
0x122: {  	_, v63, vm15 =	vpop (xrf1)  }
0x123: {  	v4 =	vadd.s32 v4, v63  }
0x124: {  	v5 =	vadd.s32 $0xFFFFFFFF, v4  }
0x125: {  	s18 =	sadd.s32 $0x2, s18;
	v6 =	vld [tilespmem:s19+$0x0]  }
0x126: {  	p0 =	slt.u32 s18, $0x7E  }
.Ltmp10:
0x127: {  	_ = 	snop;
	(pc) =	sbr.rel @p0 .LBB2_22-.Ltmp10, $4  }
0x128: {  	_ = 	snop  }
0x129: {  	[tilespmem:v5+s11+$0x0] =	vst.idx.msk $0xffff, v2  }
0x12a: {  	[tilespmem:v5+s12+$0x0] =	vst.idx.msk $0xffff, v6  }
0x12b: {  	s19 =	sadd.s32 $0x20, s19;
	s20 =	sadd.s32 $0x20, s20;
	[tilespmem:v3+s10+$0x0] =	vst.idx.msk vm15, v4  }
0x12c: {  	[tilespmem:$0x2800] =	vst v1  }
0x12d: {  	[tilespmem:$0x2810] =	vst v1;
	s18 =	simm.s32 $0xFFFFFFFE;
	s19 =	simm.s32 $0x1810  }
.LBB2_24:
0x12e: {  	v2 =	vld [tilespmem:s19+$0xFFFFFFF0];
	_ =	sdelay $0x4  }
0x12f: {  	v2 =	vshrl.u32 v2, $0x19  }
0x130: {  	v2 =	vand.u32 $0x1F, v2  }
0x131: {  	(xrf1) =	vunique.msk.u32 $0xffff, v2;
	_ =	sdelay $0xd  }
0x132: {  	_, v3, vm0 =	vpop (xrf1);
	_ =	sdelay $0x5  }
0x133: {  	[tilespmem:v2+s10+$0x0] =	vst.idx.add.s32.msk vm0, v3  }
0x134: {  	v2 =	vld [tilespmem:s19+$0x0];
	_ =	sdelay $0x4  }
0x135: {  	v2 =	vshrl.u32 v2, $0x19  }
0x136: {  	v2 =	vand.u32 $0x1F, v2  }
0x137: {  	(xrf1) =	vunique.msk.u32 $0xffff, v2;
	_ =	sdelay $0xd  }
0x138: {  	s18 =	sadd.s32 $0x2, s18;
	_, v3, vm0 =	vpop (xrf1)  }
0x139: {  	p0 =	slt.u32 s18, $0x7E  }
.Ltmp11:
0x13a: {  	_ = 	snop;
	(pc) =	sbr.rel @p0 .LBB2_24-.Ltmp11, $2  }
0x13b: {  	_ =	sdelay $0x2  }
0x13c: {  	s19 =	sadd.s32 $0x20, s19;
	[tilespmem:v2+s10+$0x0] =	vst.idx.add.s32.msk vm0, v3  }
0x13d: {  	v2 =	vld [tilespmem:$0x2800]  }
0x13e: {  	v3 =	vld [tilespmem:$0x2810];
	_ =	sdelay $0x3  }
0x13f: {  	(xrf0) =	vadd.scan.msk.s32 $0xffff, v2  }
0x140: {  	(xrf0) =	vadd.scan.msk.s32 $0xffff, v3;
	_ =	sdelay $0x4  }
0x141: {  	v4, _, _ =	vpop (xrf0)  }
0x142: {  	v5, _, _ =	vpop (xrf0);
	v6 =	vbroadcast v4, $0xF  }
0x143: {  	v2 =	vsub.s32 v4, v2;
	v3 =	vsub.s32 v5, v3  }
0x144: {  	[tilespmem:$0x2800] =	vst v2;
	v3 =	vadd.s32 v6, v3  }
0x145: {  	s18 =	simm.s32 $0xFFFFFFFE;
	s19 =	simm.s32 $0x2010;
	s20 =	simm.s32 $0x1810;
	[tilespmem:$0x2810] =	vst v3  }
.LBB2_26:
0x146: {  	v2 =	vld [tilespmem:s20+$0xFFFFFFF0];
	_ =	sdelay $0x4  }
0x147: {  	v3 =	vshrl.u32 v2, $0x19  }
0x148: {  	v3 =	vand.u32 $0x1F, v3  }
0x149: {  	(xrf1) =	vunique.msk.u32 $0xffff, v3;
	_ =	sdelay $0x9  }
0x14a: {  	v4 =	vld.idx.msk [tilespmem:v3+s10+$0x0], $0xffff;
	_ =	sdelay $0x3  }
0x14b: {  	_, v5, vm0 =	vpop (xrf1)  }
0x14c: {  	v4 =	vadd.s32 v4, v5  }
0x14d: {  	v5 =	vadd.s32 $0xFFFFFFFF, v4  }
0x14e: {  	v6 =	vld [tilespmem:s19+$0xFFFFFFF0];
	_ =	sdelay $0x3  }
0x14f: {  	[tilespmem:v5+s13+$0x0] =	vst.idx.msk $0xffff, v2  }
0x150: {  	[tilespmem:v5+s14+$0x0] =	vst.idx.msk $0xffff, v6  }
0x151: {  	[tilespmem:v3+s10+$0x0] =	vst.idx.msk vm0, v4  }
0x152: {  	v2 =	vld [tilespmem:s20+$0x0];
	_ =	sdelay $0x4  }
0x153: {  	v3 =	vshrl.u32 v2, $0x19  }
0x154: {  	v3 =	vand.u32 $0x1F, v3  }
0x155: {  	(xrf1) =	vunique.msk.u32 $0xffff, v3;
	_ =	sdelay $0x9  }
0x156: {  	v4 =	vld.idx.msk [tilespmem:v3+s10+$0x0], $0xffff;
	_ =	sdelay $0x3  }
0x157: {  	_, v63, vm15 =	vpop (xrf1)  }
0x158: {  	v4 =	vadd.s32 v4, v63  }
0x159: {  	v5 =	vadd.s32 $0xFFFFFFFF, v4  }
0x15a: {  	s18 =	sadd.s32 $0x2, s18;
	v6 =	vld [tilespmem:s19+$0x0]  }
0x15b: {  	p0 =	slt.u32 s18, $0x7E  }
.Ltmp12:
0x15c: {  	_ = 	snop;
	(pc) =	sbr.rel @p0 .LBB2_26-.Ltmp12, $4  }
0x15d: {  	_ = 	snop  }
0x15e: {  	[tilespmem:v5+s13+$0x0] =	vst.idx.msk $0xffff, v2  }
0x15f: {  	[tilespmem:v5+s14+$0x0] =	vst.idx.msk $0xffff, v6  }
0x160: {  	s19 =	sadd.s32 $0x20, s19;
	s20 =	sadd.s32 $0x20, s20;
	[tilespmem:v3+s10+$0x0] =	vst.idx.msk vm15, v4  }
0x161: {  	[tilespmem:$0x2800] =	vst v1  }
0x162: {  	[tilespmem:$0x2810] =	vst v1;
	s18 =	simm.s32 $0xFFFFFFFE;
	s19 =	simm.s32 $0x810  }
.LBB2_28:
0x163: {  	v2 =	vld [tilespmem:s19+$0xFFFFFFF0];
	_ =	sdelay $0x4  }
0x164: {  	v2 =	vshrl.u32 v2, $0x1E  }
0x165: {  	(xrf1) =	vunique.msk.u32 $0xffff, v2;
	_ =	sdelay $0xd  }
0x166: {  	_, v3, vm0 =	vpop (xrf1);
	_ =	sdelay $0x5  }
0x167: {  	[tilespmem:v2+s10+$0x0] =	vst.idx.add.s32.msk vm0, v3  }
0x168: {  	v2 =	vld [tilespmem:s19+$0x0];
	_ =	sdelay $0x4  }
0x169: {  	v2 =	vshrl.u32 v2, $0x1E  }
0x16a: {  	(xrf1) =	vunique.msk.u32 $0xffff, v2;
	_ =	sdelay $0xd  }
0x16b: {  	s18 =	sadd.s32 $0x2, s18;
	_, v3, vm0 =	vpop (xrf1)  }
0x16c: {  	p0 =	slt.u32 s18, $0x7E  }
.Ltmp13:
0x16d: {  	_ = 	snop;
	(pc) =	sbr.rel @p0 .LBB2_28-.Ltmp13, $2  }
0x16e: {  	_ =	sdelay $0x2  }
0x16f: {  	s19 =	sadd.s32 $0x20, s19;
	[tilespmem:v2+s10+$0x0] =	vst.idx.add.s32.msk vm0, v3  }
0x170: {  	v2 =	vld [tilespmem:$0x2800]  }
0x171: {  	v3 =	vld [tilespmem:$0x2810];
	_ =	sdelay $0x3  }
0x172: {  	(xrf0) =	vadd.scan.msk.s32 $0xffff, v2  }
0x173: {  	(xrf0) =	vadd.scan.msk.s32 $0xffff, v3;
	_ =	sdelay $0x4  }
0x174: {  	v4, _, _ =	vpop (xrf0)  }
0x175: {  	v5, _, _ =	vpop (xrf0);
	v6 =	vbroadcast v4, $0xF  }
0x176: {  	v2 =	vsub.s32 v4, v2;
	v3 =	vsub.s32 v5, v3  }
0x177: {  	[tilespmem:$0x2800] =	vst v2;
	v3 =	vadd.s32 v6, v3  }
0x178: {  	s18 =	simm.s32 $0xFFFFFFFE;
	s19 =	simm.s32 $0x1010;
	s20 =	simm.s32 $0x810;
	[tilespmem:$0x2810] =	vst v3  }
.LBB2_30:
0x179: {  	v2 =	vld [tilespmem:s20+$0xFFFFFFF0];
	_ =	sdelay $0x4  }
0x17a: {  	v3 =	vshrl.u32 v2, $0x1E  }
0x17b: {  	(xrf1) =	vunique.msk.u32 $0xffff, v3;
	_ =	sdelay $0x9  }
0x17c: {  	v4 =	vld.idx.msk [tilespmem:v3+s10+$0x0], $0xffff;
	_ =	sdelay $0x3  }
0x17d: {  	_, v5, vm0 =	vpop (xrf1)  }
0x17e: {  	v4 =	vadd.s32 v4, v5  }
0x17f: {  	v5 =	vadd.s32 $0xFFFFFFFF, v4  }
0x180: {  	v6 =	vld [tilespmem:s19+$0xFFFFFFF0];
	_ =	sdelay $0x3  }
0x181: {  	[tilespmem:v5+s11+$0x0] =	vst.idx.msk $0xffff, v2  }
0x182: {  	[tilespmem:v5+s12+$0x0] =	vst.idx.msk $0xffff, v6  }
0x183: {  	[tilespmem:v3+s10+$0x0] =	vst.idx.msk vm0, v4  }
0x184: {  	v2 =	vld [tilespmem:s20+$0x0];
	_ =	sdelay $0x4  }
0x185: {  	v3 =	vshrl.u32 v2, $0x1E  }
0x186: {  	(xrf1) =	vunique.msk.u32 $0xffff, v3;
	_ =	sdelay $0x9  }
0x187: {  	v4 =	vld.idx.msk [tilespmem:v3+s10+$0x0], $0xffff;
	_ =	sdelay $0x3  }
0x188: {  	_, v63, vm15 =	vpop (xrf1)  }
0x189: {  	v4 =	vadd.s32 v4, v63  }
0x18a: {  	v5 =	vadd.s32 $0xFFFFFFFF, v4  }
0x18b: {  	s18 =	sadd.s32 $0x2, s18;
	v6 =	vld [tilespmem:s19+$0x0]  }
0x18c: {  	p0 =	slt.u32 s18, $0x7E  }
.Ltmp14:
0x18d: {  	_ = 	snop;
	(pc) =	sbr.rel @p0 .LBB2_30-.Ltmp14, $4  }
0x18e: {  	_ = 	snop  }
0x18f: {  	[tilespmem:v5+s11+$0x0] =	vst.idx.msk $0xffff, v2  }
0x190: {  	[tilespmem:v5+s12+$0x0] =	vst.idx.msk $0xffff, v6  }
0x191: {  	s19 =	sadd.s32 $0x20, s19;
	s20 =	sadd.s32 $0x20, s20;
	[tilespmem:v3+s10+$0x0] =	vst.idx.msk vm15, v4  }
0x192: {  	v2 =	vld [tilespmem:$0x1800]  }
0x193: {  	v3 =	vld [tilespmem:$0x2000]  }
0x194: {  	v4 =	vld [tilespmem:$0x1810];
	_ =	sdelay $0x1  }
0x195: {  	v5 =	vld [tilespmem:$0x2010]  }
0x196: {  	v7 =	vld [tilespmem:$0x2020]  }
0x197: {  	v46 =	vld [tilespmem:$0x2030];
	v2 =	vxor.u32 $0xFFFFFFFF, v2;
	[tilespmem:$0x2980] =	vst v3  }
0x198: {  	v3 =	vxor.u32 $0xFFFFFFFF, v4;
	[tilespmem:$0x2880] =	vst v2;
	v2 =	vld [tilespmem:$0x1830]  }
0x199: {  	[tilespmem:$0x2890] =	vst v3;
	v3 =	vld [tilespmem:$0x1840]  }
0x19a: {  	v48 =	vld [tilespmem:$0x2040]  }
0x19b: {  	v50 =	vld [tilespmem:$0x2050];
	[tilespmem:$0x2990] =	vst v5  }
0x19c: {  	v51 =	vld [tilespmem:$0x2060];
	[tilespmem:$0x29A0] =	vst v7  }
0x19d: {  	v52 =	vld [tilespmem:$0x2070];
	[tilespmem:$0x29B0] =	vst v46;
	v2 =	vxor.u32 $0xFFFFFFFF, v2  }
0x19e: {  	v3 =	vxor.u32 $0xFFFFFFFF, v3;
	[tilespmem:$0x28B0] =	vst v2;
	v2 =	vld [tilespmem:$0x1860]  }
0x19f: {  	[tilespmem:$0x28C0] =	vst v3;
	v3 =	vld [tilespmem:$0x1870]  }
0x1a0: {  	v54 =	vld [tilespmem:$0x2080];
	[tilespmem:$0x29C0] =	vst v48  }
0x1a1: {  	v55 =	vld [tilespmem:$0x2090];
	[tilespmem:$0x29D0] =	vst v50  }
0x1a2: {  	v56 =	vld [tilespmem:$0x20A0];
	[tilespmem:$0x29E0] =	vst v51  }
0x1a3: {  	v58 =	vld [tilespmem:$0x20B0];
	[tilespmem:$0x29F0] =	vst v52;
	v2 =	vxor.u32 $0xFFFFFFFF, v2  }
0x1a4: {  	v3 =	vxor.u32 $0xFFFFFFFF, v3;
	[tilespmem:$0x28E0] =	vst v2;
	v2 =	vld [tilespmem:$0x1890]  }
0x1a5: {  	[tilespmem:$0x28F0] =	vst v3;
	v3 =	vld [tilespmem:$0x18A0]  }
0x1a6: {  	v6 =	vld [tilespmem:$0x1820];
	[tilespmem:$0x2A00] =	vst v54  }
0x1a7: {  	v59 =	vld [tilespmem:$0x20C0];
	[tilespmem:$0x2A10] =	vst v55  }
0x1a8: {  	v60 =	vld [tilespmem:$0x20D0];
	[tilespmem:$0x2A20] =	vst v56  }
0x1a9: {  	v62 =	vld [tilespmem:$0x20E0];
	[tilespmem:$0x2A30] =	vst v58;
	v2 =	vxor.u32 $0xFFFFFFFF, v2  }
0x1aa: {  	v3 =	vxor.u32 $0xFFFFFFFF, v3;
	[tilespmem:$0x2910] =	vst v2;
	v2 =	vld [tilespmem:$0x18C0]  }
0x1ab: {  	[tilespmem:$0x2920] =	vst v3;
	v3 =	vld [tilespmem:$0x18D0]  }
0x1ac: {  	v49 =	vld [tilespmem:$0x1850];
	[tilespmem:$0x2A40] =	vst v59  }
0x1ad: {  	v61 =	vld [tilespmem:$0x18E0];
	[tilespmem:$0x2A50] =	vst v60  }
0x1ae: {  	v53 =	vld [tilespmem:$0x1880];
	v47 =	vxor.u32 $0xFFFFFFFF, v6;
	[tilespmem:$0x2A60] =	vst v62  }
0x1af: {  	v57 =	vld [tilespmem:$0x18B0];
	[tilespmem:$0x28A0] =	vst v47;
	v2 =	vxor.u32 $0xFFFFFFFF, v2  }
0x1b0: {  	v3 =	vxor.u32 $0xFFFFFFFF, v3;
	[tilespmem:$0x2940] =	vst v2;
	v2 =	vld [tilespmem:$0x18F0]  }
0x1b1: {  	v5 =	vxor.u32 $0xFFFFFFFF, v49;
	[tilespmem:$0x2950] =	vst v3;
	v3 =	vld [tilespmem:$0x20F0]  }
0x1b2: {  	v63 =	vxor.u32 $0xFFFFFFFF, v61;
	[tilespmem:$0x28D0] =	vst v5  }
0x1b3: {  	v5 =	vxor.u32 $0xFFFFFFFF, v53;
	[tilespmem:$0x2960] =	vst v63  }
0x1b4: {  	[tilespmem:$0x2900] =	vst v5;
	v5 =	vxor.u32 $0xFFFFFFFF, v57  }
0x1b5: {  	[tilespmem:$0x2930] =	vst v5  }
0x1b6: {  	v2 =	vxor.u32 $0xFFFFFFFF, v2;
	[tilespmem:$0x2A70] =	vst v3  }
0x1b7: {  	[tilespmem:$0x2970] =	vst v2  }
0x1b8: {  	[hbm4b:s4+s7] =	stream.strided.scatter [tilespmem:s15], [sflag:$0x1], $0x100, s8, s7, $0x38;
	[tilespmem:$0x2A80] =	vst v63  }
0x1b9: {  	s17 =	sadd.s32 $0x1, s17;
	_ =	swait.ge [sflag:s9], $0x100  }
0x1ba: {  	p0 =	sne.s32 s17, s6;
	[sflag:s9] =	ssyncset.done $0x0  }
.Ltmp15:
0x1bb: {  	[sflag:s9] =	ssyncadd.s32 $0xFFFFFF00;
	(pc) =	sbr.rel @p0 .LBB2_1-.Ltmp15, $4  }
0x1bc: {  	[hbm4b:s5+s7] =	stream.strided.scatter [tilespmem:s16], [sflag:$0x1], $0x100, s8, s7, $0x38;
	[tilespmem:$0x2A80] =	vst v63  }
0x1bd: {  	_ =	swait.ge [sflag:s9], $0x100  }
0x1be: {  	[sflag:s9] =	ssyncset.done $0x0  }
0x1bf: {  	[sflag:s9] =	ssyncadd.s32 $0xFFFFFF00  }
0x1c0: {  	_ =	sfence.sel $0x180000  }
0x1c1: {  	[bflag:$0x0] =	sbarrier.arrive $0xFFFF  }
0x1c2: {  	p0 =	sne.s32 s1, $0x0;
	_ =	strace $0x90000047  }
0x1c3: {  	s0 =	sadd.s32 @!p0 $0x100000, s0;
	[bflag:$0x2] =	sbarrier.arrive $0xFFFF  }
0x1c4: {  	[sflag:s0] =	ssyncadd.tile.s32 @!p0 $0x1;
	_ =	shalt  }
.Lfunc_end2:
_tile_overlayer_lowered:
.L_overlay_start_2:
0x1c5: {  	(tag) =	ssettag $0x2  }
0x1c6: {  	s0 =	rddreg [dreg:$0x0];
	s2 =	stileid.u32  }
0x1c7: {  	s1 =	rddreg [dreg:$0x1];
	p0 =	sne.s32 s2, $0x0  }
0x1c8: {  	s3 =	rddreg [dreg:$0x2];
	[bflag:$0x3] =	sbarrier.arrive $0xFFFF;
	s2 =	simm.s32 @!p0 $0x1C01  }
0x1c9: {  	[timem:s3], [sflag:s2] =	dma.local @!p0 [hbm:s0], s1  }
0x1ca: {  	s0 =	simm.s32 @!p0 $0x1  }
0x1cb: {  	_ =	swait.ge @!p0 [sflag:s0], s1  }
0x1cc: {  	s1 =	ssub.s32 @!p0 $0x0, s1;
	[sflag:s0] =	ssyncset.done @!p0 $0x0  }
0x1cd: {  	[sflag:s0] =	ssyncadd.s32 @!p0 s1  }
0x1ce: {  	[bflag:$0x3] =	sbarrier.arrive $0xFFFF  }
0x1cf: {  	_ =	shalt  }

</sc_bundles>
